<compile_context>
chip_gen: v7x
topology: tpu7x:2x2x1
jax: 0.10.2.dev20260603
libtpu: 0.0.44.dev20260713+nightly
codegen_flags: <defaults>
</compile_context>

<pallas_src>
import functools

import jax
import jax.numpy as jnp
from jax import lax
from jax.experimental import pallas as pl
from jax.experimental.pallas import tpu as pltpu
from jax.experimental.pallas import tpu_sc as plsc

B = 4096
D_IN = 512
C = 1000
CPAD = 1024
EMB = 512
K = 10
KPAD = 16
NEG = -3.0e38

R = 256



def _tc_body(wt_ref, at_ref, b_ref, tags_ref, idx_ref):
    logits = jnp.dot(wt_ref[...], at_ref[...],
                     preferred_element_type=jnp.float32) + b_ref[...]
    m = jnp.max(logits, axis=0, keepdims=True)
    e = jnp.exp(logits - m)
    s = jnp.sum(e, axis=0, keepdims=True)
    tags_ref[...] = (e / s)[:C, :]

    row = lax.broadcasted_iota(jnp.int32, (CPAD, R), 0)
    work = logits
    picks = []
    for _ in range(K):
        mx = jnp.max(work, axis=0, keepdims=True)
        am = jnp.min(jnp.where(work == mx, row, CPAD), axis=0, keepdims=True)
        picks.append(am)
        work = jnp.where(row == am, NEG, work)
    picks.append(jnp.zeros((KPAD - K, R), jnp.int32))
    idx_ref[...] = jnp.concatenate(picks, axis=0)


def _tc_call(wt_pad, at, bt_pad):
    return pl.pallas_call(
        _tc_body,
        grid=(B // R,),
        in_specs=[
            pl.BlockSpec((CPAD, D_IN), lambda i: (0, 0)),
            pl.BlockSpec((D_IN, R), lambda i: (0, i)),
            pl.BlockSpec((CPAD, 1), lambda i: (0, 0)),
        ],
        out_specs=[
            pl.BlockSpec((C, R), lambda i: (0, i)),
            pl.BlockSpec((KPAD, R), lambda i: (0, i)),
        ],
        out_shape=[
            jax.ShapeDtypeStruct((C, B), jnp.float32),
            jax.ShapeDtypeStruct((KPAD, B), jnp.int32),
        ],
    )(wt_pad, at, bt_pad)



_NC = 2
_NS = 16
NW = _NC * _NS
BPW = B // NW
GCH = 32
NBUF = 4

_sc_mesh = plsc.VectorSubcoreMesh(core_axis_name="c", subcore_axis_name="s")


@functools.partial(
    pl.kernel,
    mesh=_sc_mesh,
    out_type=jax.ShapeDtypeStruct((K, B, EMB), jnp.float32),
    scratch_types=[pltpu.VMEM((KPAD, BPW), jnp.int32)]
    + [pltpu.VMEM((GCH, EMB), jnp.float32)] * NBUF
    + [pltpu.SemaphoreType.DMA] * (2 * NBUF),
)
def _sc_gather(table_hbm, idx_hbm, out_hbm, idx_v, *bufs):
    rows = bufs[:NBUF]
    gsem = bufs[NBUF:2 * NBUF]
    osem = bufs[2 * NBUF:]
    wid = lax.axis_index("s") * _NC + lax.axis_index("c")
    base = wid * BPW
    pltpu.sync_copy(idx_hbm.at[pl.ds(0, KPAD), pl.ds(base, BPW)], idx_v)

    nch = K * (BPW // GCH)

    @pl.loop(0, nch, step=NBUF)
    def _chunk(j):
        for t in range(NBUF):
            u = j + t
            k = u // (BPW // GCH)
            half = u % (BPW // GCH)

            @pl.when(j > 0)
            def _():
                up = u - NBUF
                pltpu.make_async_copy(
                    rows[t],
                    out_hbm.at[up // (BPW // GCH),
                               pl.ds(base + (up % (BPW // GCH)) * GCH, GCH)],
                    osem[t]).wait()

            pltpu.async_copy(
                table_hbm.at[idx_v.at[k, pl.ds(half * GCH, GCH)]],
                rows[t], gsem[t])
        for t in range(NBUF):
            u = j + t
            k = u // (BPW // GCH)
            half = u % (BPW // GCH)
            pltpu.make_async_copy(
                table_hbm.at[idx_v.at[0, pl.ds(0, GCH)]],
                rows[t], gsem[t]).wait()
            pltpu.async_copy(
                rows[t], out_hbm.at[k, pl.ds(base + half * GCH, GCH)],
                osem[t])

    for t in range(NBUF):
        ul = nch - NBUF + t
        pltpu.make_async_copy(
            rows[t],
            out_hbm.at[ul // (BPW // GCH),
                       pl.ds(base + (ul % (BPW // GCH)) * GCH, GCH)],
            osem[t]).wait()




def kernel(avg_features, W, b, embed_table):
    wt_pad = jnp.pad(W.T, ((0, CPAD - C), (0, 0)))
    bt_pad = jnp.pad(b, (0, CPAD - C), constant_values=NEG).reshape(CPAD, 1)
    tags_t, idx_t = _tc_call(wt_pad, avg_features.T, bt_pad)
    out_km = _sc_gather(embed_table, idx_t)
    return tags_t.T, out_km.transpose(1, 0, 2)

# --- scband reference (transcript-rebuilt; emitter-appended) ---
"""Pipeline reference for scband-mlc-7129645711498 (READ-ONLY COPY).

The authoritative reference and input builder live on the scoring server;
editing this copy changes nothing except your own understanding.
"""

import jax, jax.numpy as jnp
import numpy as np

B = 4096
D_IN = 512
CLASSES = 1000
EMB = 512
K = 10


def setup_inputs(seed: int = 0) -> dict:
    key = jax.random.key(seed)
    k1, k2, k3 = jax.random.split(key, 3)
    avg_features = jax.random.normal(k1, (B, D_IN), dtype=jnp.float32)
    # Dense(classes) kernel with RandomUniform(-0.1, 0.1) initializer, plus zero bias
    W = jax.random.uniform(k2, (D_IN, CLASSES), minval=-0.1, maxval=0.1, dtype=jnp.float32)
    b = jnp.zeros((CLASSES,), dtype=jnp.float32)
    # Embedding(classes, sementic_features_dim)
    embed_table = jax.random.normal(k3, (CLASSES, EMB), dtype=jnp.float32) * 0.05
    return {"avg_features": avg_features, "W": W, "b": b, "embed_table": embed_table}


def reference(avg_features, W, b, embed_table):
    # tags = softmax(classifier(avg_features))
    logits = avg_features @ W + b
    tags = jax.nn.softmax(logits, axis=-1)
    # semantic_features = embed(top_k(tags, k).indices)
    _, idx = jax.lax.top_k(tags, K)
    semantic_features = jnp.take(embed_table, idx, axis=0)
    return (tags, semantic_features)

if __name__ == "__main__":
    import jax
    _d = setup_inputs()
    print(jax.jit(kernel)(*tuple(_d.values())))

</pallas_src>

<mosaic_0001>
#map = affine_map<(d0, d1) -> (0, 0)>
#map1 = affine_map<(d0, d1) -> (0, 0, 0)>
module attributes {stable_mosaic.version = 14 : i64} {
  func.func @_sc_gather(%arg0: i32, %arg1: i32, %arg2: memref<1000x512xf32, #tpu.memory_space<hbm>>, %arg3: memref<16x4096xi32, #tpu.memory_space<hbm>>, %arg4: memref<10x4096x512xf32, #tpu.memory_space<hbm>>, %arg5: memref<16x128xi32, #tpu.memory_space<vmem>>, %arg6: memref<32x512xf32, #tpu.memory_space<vmem>>, %arg7: memref<32x512xf32, #tpu.memory_space<vmem>>, %arg8: memref<32x512xf32, #tpu.memory_space<vmem>>, %arg9: memref<32x512xf32, #tpu.memory_space<vmem>>, %arg10: memref<!tpu.dma_semaphore, #tpu.memory_space<semaphore_mem>>, %arg11: memref<!tpu.dma_semaphore, #tpu.memory_space<semaphore_mem>>, %arg12: memref<!tpu.dma_semaphore, #tpu.memory_space<semaphore_mem>>, %arg13: memref<!tpu.dma_semaphore, #tpu.memory_space<semaphore_mem>>, %arg14: memref<!tpu.dma_semaphore, #tpu.memory_space<semaphore_mem>>, %arg15: memref<!tpu.dma_semaphore, #tpu.memory_space<semaphore_mem>>, %arg16: memref<!tpu.dma_semaphore, #tpu.memory_space<semaphore_mem>>, %arg17: memref<!tpu.dma_semaphore, #tpu.memory_space<semaphore_mem>>) attributes {dimension_semantics = [#tpu.dimension_semantics<core_parallel>, #tpu.dimension_semantics<subcore_parallel>], iteration_bounds = array<i64: 2, 16>, scalar_prefetch = 0 : i64, scratch_operands = 13 : i64, tpu.core_type = #tpu.core_type<sc_vector_subcore>, window_params = [{transform_indices = #map}, {transform_indices = #map}, {transform_indices = #map1}]} {
    %mul3A = arith.constant 2 : i32
    %mul3A_0 = arith.muli %arg1, %mul3A : i32
    %add3A = arith.addi %mul3A_0, %arg0 : i32
    %mul3A_1 = arith.constant 128 : i32
    %mul3A_2 = arith.muli %add3A, %mul3A_1 : i32
    "tpu.region"() ({
      %run_scoped3A = tpu.sem_alloc : memref<!tpu.dma_semaphore, #tpu.memory_space<semaphore_mem>>
      %dma_start3A = arith.constant 0 : i32
      %dma_start3A_42 = tpu.memref_slice %arg3[%dma_start3A, %mul3A_2] : memref<16x4096xi32, #tpu.memory_space<hbm>> -> memref<16x128xi32, #tpu.memory_space<hbm>>
      %dma_start3A_43 = arith.constant 0 : i32
      %dma_start3A_44 = tpu.memref_slice %arg3[%dma_start3A_43, %mul3A_2] : memref<16x4096xi32, #tpu.memory_space<hbm>> -> memref<16x128xi32, #tpu.memory_space<hbm>>
      tpu.enqueue_dma source(%dma_start3A_44 : memref<16x128xi32, #tpu.memory_space<hbm>>) target(%arg5 : memref<16x128xi32, #tpu.memory_space<vmem>>) target_semaphore(%run_scoped3A : memref<!tpu.dma_semaphore, #tpu.memory_space<semaphore_mem>>)
      %dma_wait3A_45 = arith.constant 0 : i32
      %dma_wait3A_46 = tpu.memref_slice %arg3[%dma_wait3A_45, %mul3A_2] : memref<16x4096xi32, #tpu.memory_space<hbm>> -> memref<16x128xi32, #tpu.memory_space<hbm>>
      %dma_wait3A_47 = arith.constant 0 : i32
      %dma_wait3A_48 = tpu.memref_slice %arg3[%dma_wait3A_47, %mul3A_2] : memref<16x4096xi32, #tpu.memory_space<hbm>> -> memref<16x128xi32, #tpu.memory_space<hbm>>
      tpu.wait_dma2 semaphore(%run_scoped3A : memref<!tpu.dma_semaphore, #tpu.memory_space<semaphore_mem>>) src(%dma_wait3A_48 : memref<16x128xi32, #tpu.memory_space<hbm>>) dst(%arg5 : memref<16x128xi32, #tpu.memory_space<vmem>>)
      tpu.yield
    }) : () -> ()
    %scan3A = arith.constant 0 : i32
    %scan3A_3 = arith.constant 10 : i32
    %scan3A_4 = arith.addi %scan3A, %scan3A_3 : i32
    %scan3A_5 = arith.constant 1 : i32
    scf.for %scan3A_42 = %scan3A to %scan3A_4 step %scan3A_5  : i32 {
      %mul3A_43 = arith.constant 4 : i32
      %mul3A_44 = arith.muli %scan3A_42, %mul3A_43 : i32
      %add3A_45 = arith.constant 0 : i32
      %add3A_46 = arith.addi %add3A_45, %mul3A_44 : i32
      %add3A_47 = arith.constant 0 : i32
      %add3A_48 = arith.addi %add3A_46, %add3A_47 : i32
      %jit3A = arith.constant 4 : i32
      %div3A = arith.divsi %add3A_48, %jit3A : i32
      %sign3A = arith.constant 0 : i32
      %sign3A_49 = arith.cmpi sgt, %add3A_48, %sign3A : i32
      %sign3A_50 = arith.extui %sign3A_49 : i1 to i32
      %sign3A_51 = arith.constant 0 : i32
      %sign3A_52 = arith.cmpi slt, %add3A_48, %sign3A_51 : i32
      %sign3A_53 = arith.extui %sign3A_52 : i1 to i32
      %sign3A_54 = arith.subi %sign3A_50, %sign3A_53 : i32
      %sign3A_55 = arith.constant 0 : i32
      %sign3A_56 = arith.cmpi sgt, %jit3A, %sign3A_55 : i32
      %sign3A_57 = arith.extui %sign3A_56 : i1 to i32
      %sign3A_58 = arith.constant 0 : i32
      %sign3A_59 = arith.cmpi slt, %jit3A, %sign3A_58 : i32
      %sign3A_60 = arith.extui %sign3A_59 : i1 to i32
      %sign3A_61 = arith.subi %sign3A_57, %sign3A_60 : i32
      %ne3A = arith.cmpi ne, %sign3A_54, %sign3A_61 : i32
      %rem3A = arith.remsi %add3A_48, %jit3A : i32
      %ne3A_62 = arith.constant 0 : i32
      %ne3A_63 = arith.cmpi ne, %rem3A, %ne3A_62 : i32
      %and3A = arith.andi %ne3A, %ne3A_63 : i1
      %sub3A = arith.constant 1 : i32
      %sub3A_64 = arith.subi %div3A, %sub3A : i32
      %select_n3A = arith.select %and3A, %sub3A_64, %div3A : i32
      %jit3A_65 = arith.constant 4 : i32
      %eq3A = arith.constant 0 : i32
      %eq3A_66 = arith.cmpi eq, %jit3A_65, %eq3A : i32
      %jit3A_67 = arith.constant 1 : i32
      %select_n3A_68 = arith.select %eq3A_66, %jit3A_67, %jit3A_65 : i32
      %rem3A_69 = arith.remsi %add3A_48, %select_n3A_68 : i32
      %ne3A_70 = arith.constant 0 : i32
      %ne3A_71 = arith.cmpi ne, %rem3A_69, %ne3A_70 : i32
      %lt3A = arith.constant 0 : i32
      %lt3A_72 = arith.cmpi slt, %rem3A_69, %lt3A : i32
      %lt3A_73 = arith.constant 0 : i32
      %lt3A_74 = arith.cmpi slt, %select_n3A_68, %lt3A_73 : i32
      %ne3A_75 = arith.xori %lt3A_72, %lt3A_74 : i1
      %and3A_76 = arith.andi %ne3A_75, %ne3A_71 : i1
      %add3A_77 = arith.addi %rem3A_69, %select_n3A_68 : i32
      %select_n3A_78 = arith.select %and3A_76, %add3A_77, %rem3A_69 : i32
      %gt3A = arith.constant 0 : i32
      %gt3A_79 = arith.cmpi sgt, %add3A_46, %gt3A : i32
      %convert_element_type3A = arith.extui %gt3A_79 : i1 to i32
      %cond3A = arith.constant 0 : i32
      %cond3A_80 = arith.cmpi ne, %convert_element_type3A, %cond3A : i32
      scf.if %cond3A_80 {
        %sub3A_481 = arith.constant 4 : i32
        %sub3A_482 = arith.subi %add3A_48, %sub3A_481 : i32
        %jit3A_483 = arith.constant 4 : i32
        %div3A_484 = arith.divsi %sub3A_482, %jit3A_483 : i32
        %sign3A_485 = arith.constant 0 : i32
        %sign3A_486 = arith.cmpi sgt, %sub3A_482, %sign3A_485 : i32
        %sign3A_487 = arith.extui %sign3A_486 : i1 to i32
        %sign3A_488 = arith.constant 0 : i32
        %sign3A_489 = arith.cmpi slt, %sub3A_482, %sign3A_488 : i32
        %sign3A_490 = arith.extui %sign3A_489 : i1 to i32
        %sign3A_491 = arith.subi %sign3A_487, %sign3A_490 : i32
        %sign3A_492 = arith.constant 0 : i32
        %sign3A_493 = arith.cmpi sgt, %jit3A_483, %sign3A_492 : i32
        %sign3A_494 = arith.extui %sign3A_493 : i1 to i32
        %sign3A_495 = arith.constant 0 : i32
        %sign3A_496 = arith.cmpi slt, %jit3A_483, %sign3A_495 : i32
        %sign3A_497 = arith.extui %sign3A_496 : i1 to i32
        %sign3A_498 = arith.subi %sign3A_494, %sign3A_497 : i32
        %ne3A_499 = arith.cmpi ne, %sign3A_491, %sign3A_498 : i32
        %rem3A_500 = arith.remsi %sub3A_482, %jit3A_483 : i32
        %ne3A_501 = arith.constant 0 : i32
        %ne3A_502 = arith.cmpi ne, %rem3A_500, %ne3A_501 : i32
        %and3A_503 = arith.andi %ne3A_499, %ne3A_502 : i1
        %sub3A_504 = arith.constant 1 : i32
        %sub3A_505 = arith.subi %div3A_484, %sub3A_504 : i32
        %select_n3A_506 = arith.select %and3A_503, %sub3A_505, %div3A_484 : i32
        %jit3A_507 = arith.constant 4 : i32
        %eq3A_508 = arith.constant 0 : i32
        %eq3A_509 = arith.cmpi eq, %jit3A_507, %eq3A_508 : i32
        %jit3A_510 = arith.constant 1 : i32
        %select_n3A_511 = arith.select %eq3A_509, %jit3A_510, %jit3A_507 : i32
        %rem3A_512 = arith.remsi %sub3A_482, %select_n3A_511 : i32
        %ne3A_513 = arith.constant 0 : i32
        %ne3A_514 = arith.cmpi ne, %rem3A_512, %ne3A_513 : i32
        %lt3A_515 = arith.constant 0 : i32
        %lt3A_516 = arith.cmpi slt, %rem3A_512, %lt3A_515 : i32
        %lt3A_517 = arith.constant 0 : i32
        %lt3A_518 = arith.cmpi slt, %select_n3A_511, %lt3A_517 : i32
        %ne3A_519 = arith.xori %lt3A_516, %lt3A_518 : i1
        %and3A_520 = arith.andi %ne3A_519, %ne3A_514 : i1
        %add3A_521 = arith.addi %rem3A_512, %select_n3A_511 : i32
        %select_n3A_522 = arith.select %and3A_520, %add3A_521, %rem3A_512 : i32
        %mul3A_523 = arith.constant 32 : i32
        %mul3A_524 = arith.muli %select_n3A_522, %mul3A_523 : i32
        %add3A_525 = arith.addi %mul3A_2, %mul3A_524 : i32
        %dma_wait3A_526 = arith.constant 0 : i32
        %dma_wait3A_527 = tpu.memref_slice %arg4[%select_n3A_506, %add3A_525, %dma_wait3A_526] : memref<10x4096x512xf32, #tpu.memory_space<hbm>> -> memref<1x32x512xf32, #tpu.memory_space<hbm>>
        %dma_wait3A_528 = tpu.memref_squeeze %dma_wait3A_527 : memref<1x32x512xf32, #tpu.memory_space<hbm>> -> memref<32x512xf32, #tpu.memory_space<hbm>>
        %dma_wait3A_529 = arith.constant 0 : i32
        %dma_wait3A_530 = tpu.memref_slice %arg4[%select_n3A_506, %add3A_525, %dma_wait3A_529] : memref<10x4096x512xf32, #tpu.memory_space<hbm>> -> memref<1x32x512xf32, #tpu.memory_space<hbm>>
        %dma_wait3A_531 = tpu.memref_squeeze %dma_wait3A_530 : memref<1x32x512xf32, #tpu.memory_space<hbm>> -> memref<32x512xf32, #tpu.memory_space<hbm>>
        tpu.wait_dma2 semaphore(%arg14 : memref<!tpu.dma_semaphore, #tpu.memory_space<semaphore_mem>>) src(%arg6 : memref<32x512xf32, #tpu.memory_space<vmem>>) dst(%dma_wait3A_531 : memref<32x512xf32, #tpu.memory_space<hbm>>)
      } else {
      }
      %mul3A_81 = arith.constant 32 : i32
      %mul3A_82 = arith.muli %select_n3A_78, %mul3A_81 : i32
      %dma_start3A = tpu.memref_slice %arg5[%select_n3A, %mul3A_82] : memref<16x128xi32, #tpu.memory_space<vmem>> -> memref<1x32xi32, #tpu.memory_space<vmem>>
      %dma_start3A_83 = tpu.memref_squeeze %dma_start3A : memref<1x32xi32, #tpu.memory_space<vmem>> -> memref<32xi32, #tpu.memory_space<vmem>>
      %dma_start3A_84 = arith.constant 0 : i32
      %dma_start3A_85 = arith.constant 0 : i32
      %dma_start3A_86 = tpu.memref_slice %arg2[%dma_start3A_84, %dma_start3A_85] : memref<1000x512xf32, #tpu.memory_space<hbm>> -> memref<1000x512xf32, #tpu.memory_space<hbm>>
      tpu.enqueue_indirect_dma source(%dma_start3A_86 : memref<1000x512xf32, #tpu.memory_space<hbm>>) target(%arg6 : memref<32x512xf32, #tpu.memory_space<vmem>>) offsets(%dma_start3A_83 : memref<32xi32, #tpu.memory_space<vmem>>) semaphore(%arg10 : memref<!tpu.dma_semaphore, #tpu.memory_space<semaphore_mem>>)
      %add3A_87 = arith.constant 1 : i32
      %add3A_88 = arith.addi %add3A_46, %add3A_87 : i32
      %jit3A_89 = arith.constant 4 : i32
      %div3A_90 = arith.divsi %add3A_88, %jit3A_89 : i32
      %sign3A_91 = arith.constant 0 : i32
      %sign3A_92 = arith.cmpi sgt, %add3A_88, %sign3A_91 : i32
      %sign3A_93 = arith.extui %sign3A_92 : i1 to i32
      %sign3A_94 = arith.constant 0 : i32
      %sign3A_95 = arith.cmpi slt, %add3A_88, %sign3A_94 : i32
      %sign3A_96 = arith.extui %sign3A_95 : i1 to i32
      %sign3A_97 = arith.subi %sign3A_93, %sign3A_96 : i32
      %sign3A_98 = arith.constant 0 : i32
      %sign3A_99 = arith.cmpi sgt, %jit3A_89, %sign3A_98 : i32
      %sign3A_100 = arith.extui %sign3A_99 : i1 to i32
      %sign3A_101 = arith.constant 0 : i32
      %sign3A_102 = arith.cmpi slt, %jit3A_89, %sign3A_101 : i32
      %sign3A_103 = arith.extui %sign3A_102 : i1 to i32
      %sign3A_104 = arith.subi %sign3A_100, %sign3A_103 : i32
      %ne3A_105 = arith.cmpi ne, %sign3A_97, %sign3A_104 : i32
      %rem3A_106 = arith.remsi %add3A_88, %jit3A_89 : i32
      %ne3A_107 = arith.constant 0 : i32
      %ne3A_108 = arith.cmpi ne, %rem3A_106, %ne3A_107 : i32
      %and3A_109 = arith.andi %ne3A_105, %ne3A_108 : i1
      %sub3A_110 = arith.constant 1 : i32
      %sub3A_111 = arith.subi %div3A_90, %sub3A_110 : i32
      %select_n3A_112 = arith.select %and3A_109, %sub3A_111, %div3A_90 : i32
      %jit3A_113 = arith.constant 4 : i32
      %eq3A_114 = arith.constant 0 : i32
      %eq3A_115 = arith.cmpi eq, %jit3A_113, %eq3A_114 : i32
      %jit3A_116 = arith.constant 1 : i32
      %select_n3A_117 = arith.select %eq3A_115, %jit3A_116, %jit3A_113 : i32
      %rem3A_118 = arith.remsi %add3A_88, %select_n3A_117 : i32
      %ne3A_119 = arith.constant 0 : i32
      %ne3A_120 = arith.cmpi ne, %rem3A_118, %ne3A_119 : i32
      %lt3A_121 = arith.constant 0 : i32
      %lt3A_122 = arith.cmpi slt, %rem3A_118, %lt3A_121 : i32
      %lt3A_123 = arith.constant 0 : i32
      %lt3A_124 = arith.cmpi slt, %select_n3A_117, %lt3A_123 : i32
      %ne3A_125 = arith.xori %lt3A_122, %lt3A_124 : i1
      %and3A_126 = arith.andi %ne3A_125, %ne3A_120 : i1
      %add3A_127 = arith.addi %rem3A_118, %select_n3A_117 : i32
      %select_n3A_128 = arith.select %and3A_126, %add3A_127, %rem3A_118 : i32
      %gt3A_129 = arith.constant 0 : i32
      %gt3A_130 = arith.cmpi sgt, %add3A_46, %gt3A_129 : i32
      %convert_element_type3A_131 = arith.extui %gt3A_130 : i1 to i32
      %cond3A_132 = arith.constant 0 : i32
      %cond3A_133 = arith.cmpi ne, %convert_element_type3A_131, %cond3A_132 : i32
      scf.if %cond3A_133 {
        %sub3A_481 = arith.constant 4 : i32
        %sub3A_482 = arith.subi %add3A_88, %sub3A_481 : i32
        %jit3A_483 = arith.constant 4 : i32
        %div3A_484 = arith.divsi %sub3A_482, %jit3A_483 : i32
        %sign3A_485 = arith.constant 0 : i32
        %sign3A_486 = arith.cmpi sgt, %sub3A_482, %sign3A_485 : i32
        %sign3A_487 = arith.extui %sign3A_486 : i1 to i32
        %sign3A_488 = arith.constant 0 : i32
        %sign3A_489 = arith.cmpi slt, %sub3A_482, %sign3A_488 : i32
        %sign3A_490 = arith.extui %sign3A_489 : i1 to i32
        %sign3A_491 = arith.subi %sign3A_487, %sign3A_490 : i32
        %sign3A_492 = arith.constant 0 : i32
        %sign3A_493 = arith.cmpi sgt, %jit3A_483, %sign3A_492 : i32
        %sign3A_494 = arith.extui %sign3A_493 : i1 to i32
        %sign3A_495 = arith.constant 0 : i32
        %sign3A_496 = arith.cmpi slt, %jit3A_483, %sign3A_495 : i32
        %sign3A_497 = arith.extui %sign3A_496 : i1 to i32
        %sign3A_498 = arith.subi %sign3A_494, %sign3A_497 : i32
        %ne3A_499 = arith.cmpi ne, %sign3A_491, %sign3A_498 : i32
        %rem3A_500 = arith.remsi %sub3A_482, %jit3A_483 : i32
        %ne3A_501 = arith.constant 0 : i32
        %ne3A_502 = arith.cmpi ne, %rem3A_500, %ne3A_501 : i32
        %and3A_503 = arith.andi %ne3A_499, %ne3A_502 : i1
        %sub3A_504 = arith.constant 1 : i32
        %sub3A_505 = arith.subi %div3A_484, %sub3A_504 : i32
        %select_n3A_506 = arith.select %and3A_503, %sub3A_505, %div3A_484 : i32
        %jit3A_507 = arith.constant 4 : i32
        %eq3A_508 = arith.constant 0 : i32
        %eq3A_509 = arith.cmpi eq, %jit3A_507, %eq3A_508 : i32
        %jit3A_510 = arith.constant 1 : i32
        %select_n3A_511 = arith.select %eq3A_509, %jit3A_510, %jit3A_507 : i32
        %rem3A_512 = arith.remsi %sub3A_482, %select_n3A_511 : i32
        %ne3A_513 = arith.constant 0 : i32
        %ne3A_514 = arith.cmpi ne, %rem3A_512, %ne3A_513 : i32
        %lt3A_515 = arith.constant 0 : i32
        %lt3A_516 = arith.cmpi slt, %rem3A_512, %lt3A_515 : i32
        %lt3A_517 = arith.constant 0 : i32
        %lt3A_518 = arith.cmpi slt, %select_n3A_511, %lt3A_517 : i32
        %ne3A_519 = arith.xori %lt3A_516, %lt3A_518 : i1
        %and3A_520 = arith.andi %ne3A_519, %ne3A_514 : i1
        %add3A_521 = arith.addi %rem3A_512, %select_n3A_511 : i32
        %select_n3A_522 = arith.select %and3A_520, %add3A_521, %rem3A_512 : i32
        %mul3A_523 = arith.constant 32 : i32
        %mul3A_524 = arith.muli %select_n3A_522, %mul3A_523 : i32
        %add3A_525 = arith.addi %mul3A_2, %mul3A_524 : i32
        %dma_wait3A_526 = arith.constant 0 : i32
        %dma_wait3A_527 = tpu.memref_slice %arg4[%select_n3A_506, %add3A_525, %dma_wait3A_526] : memref<10x4096x512xf32, #tpu.memory_space<hbm>> -> memref<1x32x512xf32, #tpu.memory_space<hbm>>
        %dma_wait3A_528 = tpu.memref_squeeze %dma_wait3A_527 : memref<1x32x512xf32, #tpu.memory_space<hbm>> -> memref<32x512xf32, #tpu.memory_space<hbm>>
        %dma_wait3A_529 = arith.constant 0 : i32
        %dma_wait3A_530 = tpu.memref_slice %arg4[%select_n3A_506, %add3A_525, %dma_wait3A_529] : memref<10x4096x512xf32, #tpu.memory_space<hbm>> -> memref<1x32x512xf32, #tpu.memory_space<hbm>>
        %dma_wait3A_531 = tpu.memref_squeeze %dma_wait3A_530 : memref<1x32x512xf32, #tpu.memory_space<hbm>> -> memref<32x512xf32, #tpu.memory_space<hbm>>
        tpu.wait_dma2 semaphore(%arg15 : memref<!tpu.dma_semaphore, #tpu.memory_space<semaphore_mem>>) src(%arg7 : memref<32x512xf32, #tpu.memory_space<vmem>>) dst(%dma_wait3A_531 : memref<32x512xf32, #tpu.memory_space<hbm>>)
      } else {
      }
      %mul3A_134 = arith.constant 32 : i32
      %mul3A_135 = arith.muli %select_n3A_128, %mul3A_134 : i32
      %dma_start3A_136 = tpu.memref_slice %arg5[%select_n3A_112, %mul3A_135] : memref<16x128xi32, #tpu.memory_space<vmem>> -> memref<1x32xi32, #tpu.memory_space<vmem>>
      %dma_start3A_137 = tpu.memref_squeeze %dma_start3A_136 : memref<1x32xi32, #tpu.memory_space<vmem>> -> memref<32xi32, #tpu.memory_space<vmem>>
      %dma_start3A_138 = arith.constant 0 : i32
      %dma_start3A_139 = arith.constant 0 : i32
      %dma_start3A_140 = tpu.memref_slice %arg2[%dma_start3A_138, %dma_start3A_139] : memref<1000x512xf32, #tpu.memory_space<hbm>> -> memref<1000x512xf32, #tpu.memory_space<hbm>>
      tpu.enqueue_indirect_dma source(%dma_start3A_140 : memref<1000x512xf32, #tpu.memory_space<hbm>>) target(%arg7 : memref<32x512xf32, #tpu.memory_space<vmem>>) offsets(%dma_start3A_137 : memref<32xi32, #tpu.memory_space<vmem>>) semaphore(%arg11 : memref<!tpu.dma_semaphore, #tpu.memory_space<semaphore_mem>>)
      %add3A_141 = arith.constant 2 : i32
      %add3A_142 = arith.addi %add3A_46, %add3A_141 : i32
      %jit3A_143 = arith.constant 4 : i32
      %div3A_144 = arith.divsi %add3A_142, %jit3A_143 : i32
      %sign3A_145 = arith.constant 0 : i32
      %sign3A_146 = arith.cmpi sgt, %add3A_142, %sign3A_145 : i32
      %sign3A_147 = arith.extui %sign3A_146 : i1 to i32
      %sign3A_148 = arith.constant 0 : i32
      %sign3A_149 = arith.cmpi slt, %add3A_142, %sign3A_148 : i32
      %sign3A_150 = arith.extui %sign3A_149 : i1 to i32
      %sign3A_151 = arith.subi %sign3A_147, %sign3A_150 : i32
      %sign3A_152 = arith.constant 0 : i32
      %sign3A_153 = arith.cmpi sgt, %jit3A_143, %sign3A_152 : i32
      %sign3A_154 = arith.extui %sign3A_153 : i1 to i32
      %sign3A_155 = arith.constant 0 : i32
      %sign3A_156 = arith.cmpi slt, %jit3A_143, %sign3A_155 : i32
      %sign3A_157 = arith.extui %sign3A_156 : i1 to i32
      %sign3A_158 = arith.subi %sign3A_154, %sign3A_157 : i32
      %ne3A_159 = arith.cmpi ne, %sign3A_151, %sign3A_158 : i32
      %rem3A_160 = arith.remsi %add3A_142, %jit3A_143 : i32
      %ne3A_161 = arith.constant 0 : i32
      %ne3A_162 = arith.cmpi ne, %rem3A_160, %ne3A_161 : i32
      %and3A_163 = arith.andi %ne3A_159, %ne3A_162 : i1
      %sub3A_164 = arith.constant 1 : i32
      %sub3A_165 = arith.subi %div3A_144, %sub3A_164 : i32
      %select_n3A_166 = arith.select %and3A_163, %sub3A_165, %div3A_144 : i32
      %jit3A_167 = arith.constant 4 : i32
      %eq3A_168 = arith.constant 0 : i32
      %eq3A_169 = arith.cmpi eq, %jit3A_167, %eq3A_168 : i32
      %jit3A_170 = arith.constant 1 : i32
      %select_n3A_171 = arith.select %eq3A_169, %jit3A_170, %jit3A_167 : i32
      %rem3A_172 = arith.remsi %add3A_142, %select_n3A_171 : i32
      %ne3A_173 = arith.constant 0 : i32
      %ne3A_174 = arith.cmpi ne, %rem3A_172, %ne3A_173 : i32
      %lt3A_175 = arith.constant 0 : i32
      %lt3A_176 = arith.cmpi slt, %rem3A_172, %lt3A_175 : i32
      %lt3A_177 = arith.constant 0 : i32
      %lt3A_178 = arith.cmpi slt, %select_n3A_171, %lt3A_177 : i32
      %ne3A_179 = arith.xori %lt3A_176, %lt3A_178 : i1
      %and3A_180 = arith.andi %ne3A_179, %ne3A_174 : i1
      %add3A_181 = arith.addi %rem3A_172, %select_n3A_171 : i32
      %select_n3A_182 = arith.select %and3A_180, %add3A_181, %rem3A_172 : i32
      %gt3A_183 = arith.constant 0 : i32
      %gt3A_184 = arith.cmpi sgt, %add3A_46, %gt3A_183 : i32
      %convert_element_type3A_185 = arith.extui %gt3A_184 : i1 to i32
      %cond3A_186 = arith.constant 0 : i32
      %cond3A_187 = arith.cmpi ne, %convert_element_type3A_185, %cond3A_186 : i32
      scf.if %cond3A_187 {
        %sub3A_481 = arith.constant 4 : i32
        %sub3A_482 = arith.subi %add3A_142, %sub3A_481 : i32
        %jit3A_483 = arith.constant 4 : i32
        %div3A_484 = arith.divsi %sub3A_482, %jit3A_483 : i32
        %sign3A_485 = arith.constant 0 : i32
        %sign3A_486 = arith.cmpi sgt, %sub3A_482, %sign3A_485 : i32
        %sign3A_487 = arith.extui %sign3A_486 : i1 to i32
        %sign3A_488 = arith.constant 0 : i32
        %sign3A_489 = arith.cmpi slt, %sub3A_482, %sign3A_488 : i32
        %sign3A_490 = arith.extui %sign3A_489 : i1 to i32
        %sign3A_491 = arith.subi %sign3A_487, %sign3A_490 : i32
        %sign3A_492 = arith.constant 0 : i32
        %sign3A_493 = arith.cmpi sgt, %jit3A_483, %sign3A_492 : i32
        %sign3A_494 = arith.extui %sign3A_493 : i1 to i32
        %sign3A_495 = arith.constant 0 : i32
        %sign3A_496 = arith.cmpi slt, %jit3A_483, %sign3A_495 : i32
        %sign3A_497 = arith.extui %sign3A_496 : i1 to i32
        %sign3A_498 = arith.subi %sign3A_494, %sign3A_497 : i32
        %ne3A_499 = arith.cmpi ne, %sign3A_491, %sign3A_498 : i32
        %rem3A_500 = arith.remsi %sub3A_482, %jit3A_483 : i32
        %ne3A_501 = arith.constant 0 : i32
        %ne3A_502 = arith.cmpi ne, %rem3A_500, %ne3A_501 : i32
        %and3A_503 = arith.andi %ne3A_499, %ne3A_502 : i1
        %sub3A_504 = arith.constant 1 : i32
        %sub3A_505 = arith.subi %div3A_484, %sub3A_504 : i32
        %select_n3A_506 = arith.select %and3A_503, %sub3A_505, %div3A_484 : i32
        %jit3A_507 = arith.constant 4 : i32
        %eq3A_508 = arith.constant 0 : i32
        %eq3A_509 = arith.cmpi eq, %jit3A_507, %eq3A_508 : i32
        %jit3A_510 = arith.constant 1 : i32
        %select_n3A_511 = arith.select %eq3A_509, %jit3A_510, %jit3A_507 : i32
        %rem3A_512 = arith.remsi %sub3A_482, %select_n3A_511 : i32
        %ne3A_513 = arith.constant 0 : i32
        %ne3A_514 = arith.cmpi ne, %rem3A_512, %ne3A_513 : i32
        %lt3A_515 = arith.constant 0 : i32
        %lt3A_516 = arith.cmpi slt, %rem3A_512, %lt3A_515 : i32
        %lt3A_517 = arith.constant 0 : i32
        %lt3A_518 = arith.cmpi slt, %select_n3A_511, %lt3A_517 : i32
        %ne3A_519 = arith.xori %lt3A_516, %lt3A_518 : i1
        %and3A_520 = arith.andi %ne3A_519, %ne3A_514 : i1
        %add3A_521 = arith.addi %rem3A_512, %select_n3A_511 : i32
        %select_n3A_522 = arith.select %and3A_520, %add3A_521, %rem3A_512 : i32
        %mul3A_523 = arith.constant 32 : i32
        %mul3A_524 = arith.muli %select_n3A_522, %mul3A_523 : i32
        %add3A_525 = arith.addi %mul3A_2, %mul3A_524 : i32
        %dma_wait3A_526 = arith.constant 0 : i32
        %dma_wait3A_527 = tpu.memref_slice %arg4[%select_n3A_506, %add3A_525, %dma_wait3A_526] : memref<10x4096x512xf32, #tpu.memory_space<hbm>> -> memref<1x32x512xf32, #tpu.memory_space<hbm>>
        %dma_wait3A_528 = tpu.memref_squeeze %dma_wait3A_527 : memref<1x32x512xf32, #tpu.memory_space<hbm>> -> memref<32x512xf32, #tpu.memory_space<hbm>>
        %dma_wait3A_529 = arith.constant 0 : i32
        %dma_wait3A_530 = tpu.memref_slice %arg4[%select_n3A_506, %add3A_525, %dma_wait3A_529] : memref<10x4096x512xf32, #tpu.memory_space<hbm>> -> memref<1x32x512xf32, #tpu.memory_space<hbm>>
        %dma_wait3A_531 = tpu.memref_squeeze %dma_wait3A_530 : memref<1x32x512xf32, #tpu.memory_space<hbm>> -> memref<32x512xf32, #tpu.memory_space<hbm>>
        tpu.wait_dma2 semaphore(%arg16 : memref<!tpu.dma_semaphore, #tpu.memory_space<semaphore_mem>>) src(%arg8 : memref<32x512xf32, #tpu.memory_space<vmem>>) dst(%dma_wait3A_531 : memref<32x512xf32, #tpu.memory_space<hbm>>)
      } else {
      }
      %mul3A_188 = arith.constant 32 : i32
      %mul3A_189 = arith.muli %select_n3A_182, %mul3A_188 : i32
      %dma_start3A_190 = tpu.memref_slice %arg5[%select_n3A_166, %mul3A_189] : memref<16x128xi32, #tpu.memory_space<vmem>> -> memref<1x32xi32, #tpu.memory_space<vmem>>
      %dma_start3A_191 = tpu.memref_squeeze %dma_start3A_190 : memref<1x32xi32, #tpu.memory_space<vmem>> -> memref<32xi32, #tpu.memory_space<vmem>>
      %dma_start3A_192 = arith.constant 0 : i32
      %dma_start3A_193 = arith.constant 0 : i32
      %dma_start3A_194 = tpu.memref_slice %arg2[%dma_start3A_192, %dma_start3A_193] : memref<1000x512xf32, #tpu.memory_space<hbm>> -> memref<1000x512xf32, #tpu.memory_space<hbm>>
      tpu.enqueue_indirect_dma source(%dma_start3A_194 : memref<1000x512xf32, #tpu.memory_space<hbm>>) target(%arg8 : memref<32x512xf32, #tpu.memory_space<vmem>>) offsets(%dma_start3A_191 : memref<32xi32, #tpu.memory_space<vmem>>) semaphore(%arg12 : memref<!tpu.dma_semaphore, #tpu.memory_space<semaphore_mem>>)
      %add3A_195 = arith.constant 3 : i32
      %add3A_196 = arith.addi %add3A_46, %add3A_195 : i32
      %jit3A_197 = arith.constant 4 : i32
      %div3A_198 = arith.divsi %add3A_196, %jit3A_197 : i32
      %sign3A_199 = arith.constant 0 : i32
      %sign3A_200 = arith.cmpi sgt, %add3A_196, %sign3A_199 : i32
      %sign3A_201 = arith.extui %sign3A_200 : i1 to i32
      %sign3A_202 = arith.constant 0 : i32
      %sign3A_203 = arith.cmpi slt, %add3A_196, %sign3A_202 : i32
      %sign3A_204 = arith.extui %sign3A_203 : i1 to i32
      %sign3A_205 = arith.subi %sign3A_201, %sign3A_204 : i32
      %sign3A_206 = arith.constant 0 : i32
      %sign3A_207 = arith.cmpi sgt, %jit3A_197, %sign3A_206 : i32
      %sign3A_208 = arith.extui %sign3A_207 : i1 to i32
      %sign3A_209 = arith.constant 0 : i32
      %sign3A_210 = arith.cmpi slt, %jit3A_197, %sign3A_209 : i32
      %sign3A_211 = arith.extui %sign3A_210 : i1 to i32
      %sign3A_212 = arith.subi %sign3A_208, %sign3A_211 : i32
      %ne3A_213 = arith.cmpi ne, %sign3A_205, %sign3A_212 : i32
      %rem3A_214 = arith.remsi %add3A_196, %jit3A_197 : i32
      %ne3A_215 = arith.constant 0 : i32
      %ne3A_216 = arith.cmpi ne, %rem3A_214, %ne3A_215 : i32
      %and3A_217 = arith.andi %ne3A_213, %ne3A_216 : i1
      %sub3A_218 = arith.constant 1 : i32
      %sub3A_219 = arith.subi %div3A_198, %sub3A_218 : i32
      %select_n3A_220 = arith.select %and3A_217, %sub3A_219, %div3A_198 : i32
      %jit3A_221 = arith.constant 4 : i32
      %eq3A_222 = arith.constant 0 : i32
      %eq3A_223 = arith.cmpi eq, %jit3A_221, %eq3A_222 : i32
      %jit3A_224 = arith.constant 1 : i32
      %select_n3A_225 = arith.select %eq3A_223, %jit3A_224, %jit3A_221 : i32
      %rem3A_226 = arith.remsi %add3A_196, %select_n3A_225 : i32
      %ne3A_227 = arith.constant 0 : i32
      %ne3A_228 = arith.cmpi ne, %rem3A_226, %ne3A_227 : i32
      %lt3A_229 = arith.constant 0 : i32
      %lt3A_230 = arith.cmpi slt, %rem3A_226, %lt3A_229 : i32
      %lt3A_231 = arith.constant 0 : i32
      %lt3A_232 = arith.cmpi slt, %select_n3A_225, %lt3A_231 : i32
      %ne3A_233 = arith.xori %lt3A_230, %lt3A_232 : i1
      %and3A_234 = arith.andi %ne3A_233, %ne3A_228 : i1
      %add3A_235 = arith.addi %rem3A_226, %select_n3A_225 : i32
      %select_n3A_236 = arith.select %and3A_234, %add3A_235, %rem3A_226 : i32
      %gt3A_237 = arith.constant 0 : i32
      %gt3A_238 = arith.cmpi sgt, %add3A_46, %gt3A_237 : i32
      %convert_element_type3A_239 = arith.extui %gt3A_238 : i1 to i32
      %cond3A_240 = arith.constant 0 : i32
      %cond3A_241 = arith.cmpi ne, %convert_element_type3A_239, %cond3A_240 : i32
      scf.if %cond3A_241 {
        %sub3A_481 = arith.constant 4 : i32
        %sub3A_482 = arith.subi %add3A_196, %sub3A_481 : i32
        %jit3A_483 = arith.constant 4 : i32
        %div3A_484 = arith.divsi %sub3A_482, %jit3A_483 : i32
        %sign3A_485 = arith.constant 0 : i32
        %sign3A_486 = arith.cmpi sgt, %sub3A_482, %sign3A_485 : i32
        %sign3A_487 = arith.extui %sign3A_486 : i1 to i32
        %sign3A_488 = arith.constant 0 : i32
        %sign3A_489 = arith.cmpi slt, %sub3A_482, %sign3A_488 : i32
        %sign3A_490 = arith.extui %sign3A_489 : i1 to i32
        %sign3A_491 = arith.subi %sign3A_487, %sign3A_490 : i32
        %sign3A_492 = arith.constant 0 : i32
        %sign3A_493 = arith.cmpi sgt, %jit3A_483, %sign3A_492 : i32
        %sign3A_494 = arith.extui %sign3A_493 : i1 to i32
        %sign3A_495 = arith.constant 0 : i32
        %sign3A_496 = arith.cmpi slt, %jit3A_483, %sign3A_495 : i32
        %sign3A_497 = arith.extui %sign3A_496 : i1 to i32
        %sign3A_498 = arith.subi %sign3A_494, %sign3A_497 : i32
        %ne3A_499 = arith.cmpi ne, %sign3A_491, %sign3A_498 : i32
        %rem3A_500 = arith.remsi %sub3A_482, %jit3A_483 : i32
        %ne3A_501 = arith.constant 0 : i32
        %ne3A_502 = arith.cmpi ne, %rem3A_500, %ne3A_501 : i32
        %and3A_503 = arith.andi %ne3A_499, %ne3A_502 : i1
        %sub3A_504 = arith.constant 1 : i32
        %sub3A_505 = arith.subi %div3A_484, %sub3A_504 : i32
        %select_n3A_506 = arith.select %and3A_503, %sub3A_505, %div3A_484 : i32
        %jit3A_507 = arith.constant 4 : i32
        %eq3A_508 = arith.constant 0 : i32
        %eq3A_509 = arith.cmpi eq, %jit3A_507, %eq3A_508 : i32
        %jit3A_510 = arith.constant 1 : i32
        %select_n3A_511 = arith.select %eq3A_509, %jit3A_510, %jit3A_507 : i32
        %rem3A_512 = arith.remsi %sub3A_482, %select_n3A_511 : i32
        %ne3A_513 = arith.constant 0 : i32
        %ne3A_514 = arith.cmpi ne, %rem3A_512, %ne3A_513 : i32
        %lt3A_515 = arith.constant 0 : i32
        %lt3A_516 = arith.cmpi slt, %rem3A_512, %lt3A_515 : i32
        %lt3A_517 = arith.constant 0 : i32
        %lt3A_518 = arith.cmpi slt, %select_n3A_511, %lt3A_517 : i32
        %ne3A_519 = arith.xori %lt3A_516, %lt3A_518 : i1
        %and3A_520 = arith.andi %ne3A_519, %ne3A_514 : i1
        %add3A_521 = arith.addi %rem3A_512, %select_n3A_511 : i32
        %select_n3A_522 = arith.select %and3A_520, %add3A_521, %rem3A_512 : i32
        %mul3A_523 = arith.constant 32 : i32
        %mul3A_524 = arith.muli %select_n3A_522, %mul3A_523 : i32
        %add3A_525 = arith.addi %mul3A_2, %mul3A_524 : i32
        %dma_wait3A_526 = arith.constant 0 : i32
        %dma_wait3A_527 = tpu.memref_slice %arg4[%select_n3A_506, %add3A_525, %dma_wait3A_526] : memref<10x4096x512xf32, #tpu.memory_space<hbm>> -> memref<1x32x512xf32, #tpu.memory_space<hbm>>
        %dma_wait3A_528 = tpu.memref_squeeze %dma_wait3A_527 : memref<1x32x512xf32, #tpu.memory_space<hbm>> -> memref<32x512xf32, #tpu.memory_space<hbm>>
        %dma_wait3A_529 = arith.constant 0 : i32
        %dma_wait3A_530 = tpu.memref_slice %arg4[%select_n3A_506, %add3A_525, %dma_wait3A_529] : memref<10x4096x512xf32, #tpu.memory_space<hbm>> -> memref<1x32x512xf32, #tpu.memory_space<hbm>>
        %dma_wait3A_531 = tpu.memref_squeeze %dma_wait3A_530 : memref<1x32x512xf32, #tpu.memory_space<hbm>> -> memref<32x512xf32, #tpu.memory_space<hbm>>
        tpu.wait_dma2 semaphore(%arg17 : memref<!tpu.dma_semaphore, #tpu.memory_space<semaphore_mem>>) src(%arg9 : memref<32x512xf32, #tpu.memory_space<vmem>>) dst(%dma_wait3A_531 : memref<32x512xf32, #tpu.memory_space<hbm>>)
      } else {
      }
      %mul3A_242 = arith.constant 32 : i32
      %mul3A_243 = arith.muli %select_n3A_236, %mul3A_242 : i32
      %dma_start3A_244 = tpu.memref_slice %arg5[%select_n3A_220, %mul3A_243] : memref<16x128xi32, #tpu.memory_space<vmem>> -> memref<1x32xi32, #tpu.memory_space<vmem>>
      %dma_start3A_245 = tpu.memref_squeeze %dma_start3A_244 : memref<1x32xi32, #tpu.memory_space<vmem>> -> memref<32xi32, #tpu.memory_space<vmem>>
      %dma_start3A_246 = arith.constant 0 : i32
      %dma_start3A_247 = arith.constant 0 : i32
      %dma_start3A_248 = tpu.memref_slice %arg2[%dma_start3A_246, %dma_start3A_247] : memref<1000x512xf32, #tpu.memory_space<hbm>> -> memref<1000x512xf32, #tpu.memory_space<hbm>>
      tpu.enqueue_indirect_dma source(%dma_start3A_248 : memref<1000x512xf32, #tpu.memory_space<hbm>>) target(%arg9 : memref<32x512xf32, #tpu.memory_space<vmem>>) offsets(%dma_start3A_245 : memref<32xi32, #tpu.memory_space<vmem>>) semaphore(%arg13 : memref<!tpu.dma_semaphore, #tpu.memory_space<semaphore_mem>>)
      %add3A_249 = arith.constant 0 : i32
      %add3A_250 = arith.addi %add3A_46, %add3A_249 : i32
      %jit3A_251 = arith.constant 4 : i32
      %div3A_252 = arith.divsi %add3A_250, %jit3A_251 : i32
      %sign3A_253 = arith.constant 0 : i32
      %sign3A_254 = arith.cmpi sgt, %add3A_250, %sign3A_253 : i32
      %sign3A_255 = arith.extui %sign3A_254 : i1 to i32
      %sign3A_256 = arith.constant 0 : i32
      %sign3A_257 = arith.cmpi slt, %add3A_250, %sign3A_256 : i32
      %sign3A_258 = arith.extui %sign3A_257 : i1 to i32
      %sign3A_259 = arith.subi %sign3A_255, %sign3A_258 : i32
      %sign3A_260 = arith.constant 0 : i32
      %sign3A_261 = arith.cmpi sgt, %jit3A_251, %sign3A_260 : i32
      %sign3A_262 = arith.extui %sign3A_261 : i1 to i32
      %sign3A_263 = arith.constant 0 : i32
      %sign3A_264 = arith.cmpi slt, %jit3A_251, %sign3A_263 : i32
      %sign3A_265 = arith.extui %sign3A_264 : i1 to i32
      %sign3A_266 = arith.subi %sign3A_262, %sign3A_265 : i32
      %ne3A_267 = arith.cmpi ne, %sign3A_259, %sign3A_266 : i32
      %rem3A_268 = arith.remsi %add3A_250, %jit3A_251 : i32
      %ne3A_269 = arith.constant 0 : i32
      %ne3A_270 = arith.cmpi ne, %rem3A_268, %ne3A_269 : i32
      %and3A_271 = arith.andi %ne3A_267, %ne3A_270 : i1
      %sub3A_272 = arith.constant 1 : i32
      %sub3A_273 = arith.subi %div3A_252, %sub3A_272 : i32
      %select_n3A_274 = arith.select %and3A_271, %sub3A_273, %div3A_252 : i32
      %jit3A_275 = arith.constant 4 : i32
      %eq3A_276 = arith.constant 0 : i32
      %eq3A_277 = arith.cmpi eq, %jit3A_275, %eq3A_276 : i32
      %jit3A_278 = arith.constant 1 : i32
      %select_n3A_279 = arith.select %eq3A_277, %jit3A_278, %jit3A_275 : i32
      %rem3A_280 = arith.remsi %add3A_250, %select_n3A_279 : i32
      %ne3A_281 = arith.constant 0 : i32
      %ne3A_282 = arith.cmpi ne, %rem3A_280, %ne3A_281 : i32
      %lt3A_283 = arith.constant 0 : i32
      %lt3A_284 = arith.cmpi slt, %rem3A_280, %lt3A_283 : i32
      %lt3A_285 = arith.constant 0 : i32
      %lt3A_286 = arith.cmpi slt, %select_n3A_279, %lt3A_285 : i32
      %ne3A_287 = arith.xori %lt3A_284, %lt3A_286 : i1
      %and3A_288 = arith.andi %ne3A_287, %ne3A_282 : i1
      %add3A_289 = arith.addi %rem3A_280, %select_n3A_279 : i32
      %select_n3A_290 = arith.select %and3A_288, %add3A_289, %rem3A_280 : i32
      %dma_wait3A_291 = arith.constant 0 : i32
      %dma_wait3A_292 = arith.constant 0 : i32
      %dma_wait3A_293 = tpu.memref_slice %arg5[%dma_wait3A_291, %dma_wait3A_292] : memref<16x128xi32, #tpu.memory_space<vmem>> -> memref<1x32xi32, #tpu.memory_space<vmem>>
      %dma_wait3A_294 = tpu.memref_squeeze %dma_wait3A_293 : memref<1x32xi32, #tpu.memory_space<vmem>> -> memref<32xi32, #tpu.memory_space<vmem>>
      %dma_wait3A_295 = arith.constant 0 : i32
      %dma_wait3A_296 = arith.constant 0 : i32
      %dma_wait3A_297 = tpu.memref_slice %arg2[%dma_wait3A_295, %dma_wait3A_296] : memref<1000x512xf32, #tpu.memory_space<hbm>> -> memref<1000x512xf32, #tpu.memory_space<hbm>>
      tpu.wait_indirect_dma semaphore(%arg10 : memref<!tpu.dma_semaphore, #tpu.memory_space<semaphore_mem>>) src(%dma_wait3A_297 : memref<1000x512xf32, #tpu.memory_space<hbm>>) dst(%arg6 : memref<32x512xf32, #tpu.memory_space<vmem>>)
      %mul3A_298 = arith.constant 32 : i32
      %mul3A_299 = arith.muli %select_n3A_290, %mul3A_298 : i32
      %add3A_300 = arith.addi %mul3A_2, %mul3A_299 : i32
      %dma_start3A_301 = arith.constant 0 : i32
      %dma_start3A_302 = tpu.memref_slice %arg4[%select_n3A_274, %add3A_300, %dma_start3A_301] : memref<10x4096x512xf32, #tpu.memory_space<hbm>> -> memref<1x32x512xf32, #tpu.memory_space<hbm>>
      %dma_start3A_303 = tpu.memref_squeeze %dma_start3A_302 : memref<1x32x512xf32, #tpu.memory_space<hbm>> -> memref<32x512xf32, #tpu.memory_space<hbm>>
      %dma_start3A_304 = arith.constant 0 : i32
      %dma_start3A_305 = tpu.memref_slice %arg4[%select_n3A_274, %add3A_300, %dma_start3A_304] : memref<10x4096x512xf32, #tpu.memory_space<hbm>> -> memref<1x32x512xf32, #tpu.memory_space<hbm>>
      %dma_start3A_306 = tpu.memref_squeeze %dma_start3A_305 : memref<1x32x512xf32, #tpu.memory_space<hbm>> -> memref<32x512xf32, #tpu.memory_space<hbm>>
      tpu.enqueue_dma source(%arg6 : memref<32x512xf32, #tpu.memory_space<vmem>>) target(%dma_start3A_306 : memref<32x512xf32, #tpu.memory_space<hbm>>) target_semaphore(%arg14 : memref<!tpu.dma_semaphore, #tpu.memory_space<semaphore_mem>>)
      %add3A_307 = arith.constant 1 : i32
      %add3A_308 = arith.addi %add3A_46, %add3A_307 : i32
      %jit3A_309 = arith.constant 4 : i32
      %div3A_310 = arith.divsi %add3A_308, %jit3A_309 : i32
      %sign3A_311 = arith.constant 0 : i32
      %sign3A_312 = arith.cmpi sgt, %add3A_308, %sign3A_311 : i32
      %sign3A_313 = arith.extui %sign3A_312 : i1 to i32
      %sign3A_314 = arith.constant 0 : i32
      %sign3A_315 = arith.cmpi slt, %add3A_308, %sign3A_314 : i32
      %sign3A_316 = arith.extui %sign3A_315 : i1 to i32
      %sign3A_317 = arith.subi %sign3A_313, %sign3A_316 : i32
      %sign3A_318 = arith.constant 0 : i32
      %sign3A_319 = arith.cmpi sgt, %jit3A_309, %sign3A_318 : i32
      %sign3A_320 = arith.extui %sign3A_319 : i1 to i32
      %sign3A_321 = arith.constant 0 : i32
      %sign3A_322 = arith.cmpi slt, %jit3A_309, %sign3A_321 : i32
      %sign3A_323 = arith.extui %sign3A_322 : i1 to i32
      %sign3A_324 = arith.subi %sign3A_320, %sign3A_323 : i32
      %ne3A_325 = arith.cmpi ne, %sign3A_317, %sign3A_324 : i32
      %rem3A_326 = arith.remsi %add3A_308, %jit3A_309 : i32
      %ne3A_327 = arith.constant 0 : i32
      %ne3A_328 = arith.cmpi ne, %rem3A_326, %ne3A_327 : i32
      %and3A_329 = arith.andi %ne3A_325, %ne3A_328 : i1
      %sub3A_330 = arith.constant 1 : i32
      %sub3A_331 = arith.subi %div3A_310, %sub3A_330 : i32
      %select_n3A_332 = arith.select %and3A_329, %sub3A_331, %div3A_310 : i32
      %jit3A_333 = arith.constant 4 : i32
      %eq3A_334 = arith.constant 0 : i32
      %eq3A_335 = arith.cmpi eq, %jit3A_333, %eq3A_334 : i32
      %jit3A_336 = arith.constant 1 : i32
      %select_n3A_337 = arith.select %eq3A_335, %jit3A_336, %jit3A_333 : i32
      %rem3A_338 = arith.remsi %add3A_308, %select_n3A_337 : i32
      %ne3A_339 = arith.constant 0 : i32
      %ne3A_340 = arith.cmpi ne, %rem3A_338, %ne3A_339 : i32
      %lt3A_341 = arith.constant 0 : i32
      %lt3A_342 = arith.cmpi slt, %rem3A_338, %lt3A_341 : i32
      %lt3A_343 = arith.constant 0 : i32
      %lt3A_344 = arith.cmpi slt, %select_n3A_337, %lt3A_343 : i32
      %ne3A_345 = arith.xori %lt3A_342, %lt3A_344 : i1
      %and3A_346 = arith.andi %ne3A_345, %ne3A_340 : i1
      %add3A_347 = arith.addi %rem3A_338, %select_n3A_337 : i32
      %select_n3A_348 = arith.select %and3A_346, %add3A_347, %rem3A_338 : i32
      %dma_wait3A_349 = arith.constant 0 : i32
      %dma_wait3A_350 = arith.constant 0 : i32
      %dma_wait3A_351 = tpu.memref_slice %arg5[%dma_wait3A_349, %dma_wait3A_350] : memref<16x128xi32, #tpu.memory_space<vmem>> -> memref<1x32xi32, #tpu.memory_space<vmem>>
      %dma_wait3A_352 = tpu.memref_squeeze %dma_wait3A_351 : memref<1x32xi32, #tpu.memory_space<vmem>> -> memref<32xi32, #tpu.memory_space<vmem>>
      %dma_wait3A_353 = arith.constant 0 : i32
      %dma_wait3A_354 = arith.constant 0 : i32
      %dma_wait3A_355 = tpu.memref_slice %arg2[%dma_wait3A_353, %dma_wait3A_354] : memref<1000x512xf32, #tpu.memory_space<hbm>> -> memref<1000x512xf32, #tpu.memory_space<hbm>>
      tpu.wait_indirect_dma semaphore(%arg11 : memref<!tpu.dma_semaphore, #tpu.memory_space<semaphore_mem>>) src(%dma_wait3A_355 : memref<1000x512xf32, #tpu.memory_space<hbm>>) dst(%arg7 : memref<32x512xf32, #tpu.memory_space<vmem>>)
      %mul3A_356 = arith.constant 32 : i32
      %mul3A_357 = arith.muli %select_n3A_348, %mul3A_356 : i32
      %add3A_358 = arith.addi %mul3A_2, %mul3A_357 : i32
      %dma_start3A_359 = arith.constant 0 : i32
      %dma_start3A_360 = tpu.memref_slice %arg4[%select_n3A_332, %add3A_358, %dma_start3A_359] : memref<10x4096x512xf32, #tpu.memory_space<hbm>> -> memref<1x32x512xf32, #tpu.memory_space<hbm>>
      %dma_start3A_361 = tpu.memref_squeeze %dma_start3A_360 : memref<1x32x512xf32, #tpu.memory_space<hbm>> -> memref<32x512xf32, #tpu.memory_space<hbm>>
      %dma_start3A_362 = arith.constant 0 : i32
      %dma_start3A_363 = tpu.memref_slice %arg4[%select_n3A_332, %add3A_358, %dma_start3A_362] : memref<10x4096x512xf32, #tpu.memory_space<hbm>> -> memref<1x32x512xf32, #tpu.memory_space<hbm>>
      %dma_start3A_364 = tpu.memref_squeeze %dma_start3A_363 : memref<1x32x512xf32, #tpu.memory_space<hbm>> -> memref<32x512xf32, #tpu.memory_space<hbm>>
      tpu.enqueue_dma source(%arg7 : memref<32x512xf32, #tpu.memory_space<vmem>>) target(%dma_start3A_364 : memref<32x512xf32, #tpu.memory_space<hbm>>) target_semaphore(%arg15 : memref<!tpu.dma_semaphore, #tpu.memory_space<semaphore_mem>>)
      %add3A_365 = arith.constant 2 : i32
      %add3A_366 = arith.addi %add3A_46, %add3A_365 : i32
      %jit3A_367 = arith.constant 4 : i32
      %div3A_368 = arith.divsi %add3A_366, %jit3A_367 : i32
      %sign3A_369 = arith.constant 0 : i32
      %sign3A_370 = arith.cmpi sgt, %add3A_366, %sign3A_369 : i32
      %sign3A_371 = arith.extui %sign3A_370 : i1 to i32
      %sign3A_372 = arith.constant 0 : i32
      %sign3A_373 = arith.cmpi slt, %add3A_366, %sign3A_372 : i32
      %sign3A_374 = arith.extui %sign3A_373 : i1 to i32
      %sign3A_375 = arith.subi %sign3A_371, %sign3A_374 : i32
      %sign3A_376 = arith.constant 0 : i32
      %sign3A_377 = arith.cmpi sgt, %jit3A_367, %sign3A_376 : i32
      %sign3A_378 = arith.extui %sign3A_377 : i1 to i32
      %sign3A_379 = arith.constant 0 : i32
      %sign3A_380 = arith.cmpi slt, %jit3A_367, %sign3A_379 : i32
      %sign3A_381 = arith.extui %sign3A_380 : i1 to i32
      %sign3A_382 = arith.subi %sign3A_378, %sign3A_381 : i32
      %ne3A_383 = arith.cmpi ne, %sign3A_375, %sign3A_382 : i32
      %rem3A_384 = arith.remsi %add3A_366, %jit3A_367 : i32
      %ne3A_385 = arith.constant 0 : i32
      %ne3A_386 = arith.cmpi ne, %rem3A_384, %ne3A_385 : i32
      %and3A_387 = arith.andi %ne3A_383, %ne3A_386 : i1
      %sub3A_388 = arith.constant 1 : i32
      %sub3A_389 = arith.subi %div3A_368, %sub3A_388 : i32
      %select_n3A_390 = arith.select %and3A_387, %sub3A_389, %div3A_368 : i32
      %jit3A_391 = arith.constant 4 : i32
      %eq3A_392 = arith.constant 0 : i32
      %eq3A_393 = arith.cmpi eq, %jit3A_391, %eq3A_392 : i32
      %jit3A_394 = arith.constant 1 : i32
      %select_n3A_395 = arith.select %eq3A_393, %jit3A_394, %jit3A_391 : i32
      %rem3A_396 = arith.remsi %add3A_366, %select_n3A_395 : i32
      %ne3A_397 = arith.constant 0 : i32
      %ne3A_398 = arith.cmpi ne, %rem3A_396, %ne3A_397 : i32
      %lt3A_399 = arith.constant 0 : i32
      %lt3A_400 = arith.cmpi slt, %rem3A_396, %lt3A_399 : i32
      %lt3A_401 = arith.constant 0 : i32
      %lt3A_402 = arith.cmpi slt, %select_n3A_395, %lt3A_401 : i32
      %ne3A_403 = arith.xori %lt3A_400, %lt3A_402 : i1
      %and3A_404 = arith.andi %ne3A_403, %ne3A_398 : i1
      %add3A_405 = arith.addi %rem3A_396, %select_n3A_395 : i32
      %select_n3A_406 = arith.select %and3A_404, %add3A_405, %rem3A_396 : i32
      %dma_wait3A_407 = arith.constant 0 : i32
      %dma_wait3A_408 = arith.constant 0 : i32
      %dma_wait3A_409 = tpu.memref_slice %arg5[%dma_wait3A_407, %dma_wait3A_408] : memref<16x128xi32, #tpu.memory_space<vmem>> -> memref<1x32xi32, #tpu.memory_space<vmem>>
      %dma_wait3A_410 = tpu.memref_squeeze %dma_wait3A_409 : memref<1x32xi32, #tpu.memory_space<vmem>> -> memref<32xi32, #tpu.memory_space<vmem>>
      %dma_wait3A_411 = arith.constant 0 : i32
      %dma_wait3A_412 = arith.constant 0 : i32
      %dma_wait3A_413 = tpu.memref_slice %arg2[%dma_wait3A_411, %dma_wait3A_412] : memref<1000x512xf32, #tpu.memory_space<hbm>> -> memref<1000x512xf32, #tpu.memory_space<hbm>>
      tpu.wait_indirect_dma semaphore(%arg12 : memref<!tpu.dma_semaphore, #tpu.memory_space<semaphore_mem>>) src(%dma_wait3A_413 : memref<1000x512xf32, #tpu.memory_space<hbm>>) dst(%arg8 : memref<32x512xf32, #tpu.memory_space<vmem>>)
      %mul3A_414 = arith.constant 32 : i32
      %mul3A_415 = arith.muli %select_n3A_406, %mul3A_414 : i32
      %add3A_416 = arith.addi %mul3A_2, %mul3A_415 : i32
      %dma_start3A_417 = arith.constant 0 : i32
      %dma_start3A_418 = tpu.memref_slice %arg4[%select_n3A_390, %add3A_416, %dma_start3A_417] : memref<10x4096x512xf32, #tpu.memory_space<hbm>> -> memref<1x32x512xf32, #tpu.memory_space<hbm>>
      %dma_start3A_419 = tpu.memref_squeeze %dma_start3A_418 : memref<1x32x512xf32, #tpu.memory_space<hbm>> -> memref<32x512xf32, #tpu.memory_space<hbm>>
      %dma_start3A_420 = arith.constant 0 : i32
      %dma_start3A_421 = tpu.memref_slice %arg4[%select_n3A_390, %add3A_416, %dma_start3A_420] : memref<10x4096x512xf32, #tpu.memory_space<hbm>> -> memref<1x32x512xf32, #tpu.memory_space<hbm>>
      %dma_start3A_422 = tpu.memref_squeeze %dma_start3A_421 : memref<1x32x512xf32, #tpu.memory_space<hbm>> -> memref<32x512xf32, #tpu.memory_space<hbm>>
      tpu.enqueue_dma source(%arg8 : memref<32x512xf32, #tpu.memory_space<vmem>>) target(%dma_start3A_422 : memref<32x512xf32, #tpu.memory_space<hbm>>) target_semaphore(%arg16 : memref<!tpu.dma_semaphore, #tpu.memory_space<semaphore_mem>>)
      %add3A_423 = arith.constant 3 : i32
      %add3A_424 = arith.addi %add3A_46, %add3A_423 : i32
      %jit3A_425 = arith.constant 4 : i32
      %div3A_426 = arith.divsi %add3A_424, %jit3A_425 : i32
      %sign3A_427 = arith.constant 0 : i32
      %sign3A_428 = arith.cmpi sgt, %add3A_424, %sign3A_427 : i32
      %sign3A_429 = arith.extui %sign3A_428 : i1 to i32
      %sign3A_430 = arith.constant 0 : i32
      %sign3A_431 = arith.cmpi slt, %add3A_424, %sign3A_430 : i32
      %sign3A_432 = arith.extui %sign3A_431 : i1 to i32
      %sign3A_433 = arith.subi %sign3A_429, %sign3A_432 : i32
      %sign3A_434 = arith.constant 0 : i32
      %sign3A_435 = arith.cmpi sgt, %jit3A_425, %sign3A_434 : i32
      %sign3A_436 = arith.extui %sign3A_435 : i1 to i32
      %sign3A_437 = arith.constant 0 : i32
      %sign3A_438 = arith.cmpi slt, %jit3A_425, %sign3A_437 : i32
      %sign3A_439 = arith.extui %sign3A_438 : i1 to i32
      %sign3A_440 = arith.subi %sign3A_436, %sign3A_439 : i32
      %ne3A_441 = arith.cmpi ne, %sign3A_433, %sign3A_440 : i32
      %rem3A_442 = arith.remsi %add3A_424, %jit3A_425 : i32
      %ne3A_443 = arith.constant 0 : i32
      %ne3A_444 = arith.cmpi ne, %rem3A_442, %ne3A_443 : i32
      %and3A_445 = arith.andi %ne3A_441, %ne3A_444 : i1
      %sub3A_446 = arith.constant 1 : i32
      %sub3A_447 = arith.subi %div3A_426, %sub3A_446 : i32
      %select_n3A_448 = arith.select %and3A_445, %sub3A_447, %div3A_426 : i32
      %jit3A_449 = arith.constant 4 : i32
      %eq3A_450 = arith.constant 0 : i32
      %eq3A_451 = arith.cmpi eq, %jit3A_449, %eq3A_450 : i32
      %jit3A_452 = arith.constant 1 : i32
      %select_n3A_453 = arith.select %eq3A_451, %jit3A_452, %jit3A_449 : i32
      %rem3A_454 = arith.remsi %add3A_424, %select_n3A_453 : i32
      %ne3A_455 = arith.constant 0 : i32
      %ne3A_456 = arith.cmpi ne, %rem3A_454, %ne3A_455 : i32
      %lt3A_457 = arith.constant 0 : i32
      %lt3A_458 = arith.cmpi slt, %rem3A_454, %lt3A_457 : i32
      %lt3A_459 = arith.constant 0 : i32
      %lt3A_460 = arith.cmpi slt, %select_n3A_453, %lt3A_459 : i32
      %ne3A_461 = arith.xori %lt3A_458, %lt3A_460 : i1
      %and3A_462 = arith.andi %ne3A_461, %ne3A_456 : i1
      %add3A_463 = arith.addi %rem3A_454, %select_n3A_453 : i32
      %select_n3A_464 = arith.select %and3A_462, %add3A_463, %rem3A_454 : i32
      %dma_wait3A_465 = arith.constant 0 : i32
      %dma_wait3A_466 = arith.constant 0 : i32
      %dma_wait3A_467 = tpu.memref_slice %arg5[%dma_wait3A_465, %dma_wait3A_466] : memref<16x128xi32, #tpu.memory_space<vmem>> -> memref<1x32xi32, #tpu.memory_space<vmem>>
      %dma_wait3A_468 = tpu.memref_squeeze %dma_wait3A_467 : memref<1x32xi32, #tpu.memory_space<vmem>> -> memref<32xi32, #tpu.memory_space<vmem>>
      %dma_wait3A_469 = arith.constant 0 : i32
      %dma_wait3A_470 = arith.constant 0 : i32
      %dma_wait3A_471 = tpu.memref_slice %arg2[%dma_wait3A_469, %dma_wait3A_470] : memref<1000x512xf32, #tpu.memory_space<hbm>> -> memref<1000x512xf32, #tpu.memory_space<hbm>>
      tpu.wait_indirect_dma semaphore(%arg13 : memref<!tpu.dma_semaphore, #tpu.memory_space<semaphore_mem>>) src(%dma_wait3A_471 : memref<1000x512xf32, #tpu.memory_space<hbm>>) dst(%arg9 : memref<32x512xf32, #tpu.memory_space<vmem>>)
      %mul3A_472 = arith.constant 32 : i32
      %mul3A_473 = arith.muli %select_n3A_464, %mul3A_472 : i32
      %add3A_474 = arith.addi %mul3A_2, %mul3A_473 : i32
      %dma_start3A_475 = arith.constant 0 : i32
      %dma_start3A_476 = tpu.memref_slice %arg4[%select_n3A_448, %add3A_474, %dma_start3A_475] : memref<10x4096x512xf32, #tpu.memory_space<hbm>> -> memref<1x32x512xf32, #tpu.memory_space<hbm>>
      %dma_start3A_477 = tpu.memref_squeeze %dma_start3A_476 : memref<1x32x512xf32, #tpu.memory_space<hbm>> -> memref<32x512xf32, #tpu.memory_space<hbm>>
      %dma_start3A_478 = arith.constant 0 : i32
      %dma_start3A_479 = tpu.memref_slice %arg4[%select_n3A_448, %add3A_474, %dma_start3A_478] : memref<10x4096x512xf32, #tpu.memory_space<hbm>> -> memref<1x32x512xf32, #tpu.memory_space<hbm>>
      %dma_start3A_480 = tpu.memref_squeeze %dma_start3A_479 : memref<1x32x512xf32, #tpu.memory_space<hbm>> -> memref<32x512xf32, #tpu.memory_space<hbm>>
      tpu.enqueue_dma source(%arg9 : memref<32x512xf32, #tpu.memory_space<vmem>>) target(%dma_start3A_480 : memref<32x512xf32, #tpu.memory_space<hbm>>) target_semaphore(%arg17 : memref<!tpu.dma_semaphore, #tpu.memory_space<semaphore_mem>>)
    }
    %scan3A_6 = arith.constant 10 : i32
    %add3A_7 = arith.constant 0 : i32
    %add3A_8 = arith.addi %mul3A_2, %add3A_7 : i32
    %dma_wait3A = arith.constant 9 : i32
    %dma_wait3A_9 = arith.constant 0 : i32
    %dma_wait3A_10 = tpu.memref_slice %arg4[%dma_wait3A, %add3A_8, %dma_wait3A_9] : memref<10x4096x512xf32, #tpu.memory_space<hbm>> -> memref<1x32x512xf32, #tpu.memory_space<hbm>>
    %dma_wait3A_11 = tpu.memref_squeeze %dma_wait3A_10 : memref<1x32x512xf32, #tpu.memory_space<hbm>> -> memref<32x512xf32, #tpu.memory_space<hbm>>
    %dma_wait3A_12 = arith.constant 0 : i32
    %dma_wait3A_13 = tpu.memref_slice %arg4[%dma_wait3A, %add3A_8, %dma_wait3A_12] : memref<10x4096x512xf32, #tpu.memory_space<hbm>> -> memref<1x32x512xf32, #tpu.memory_space<hbm>>
    %dma_wait3A_14 = tpu.memref_squeeze %dma_wait3A_13 : memref<1x32x512xf32, #tpu.memory_space<hbm>> -> memref<32x512xf32, #tpu.memory_space<hbm>>
    tpu.wait_dma2 semaphore(%arg14 : memref<!tpu.dma_semaphore, #tpu.memory_space<semaphore_mem>>) src(%arg6 : memref<32x512xf32, #tpu.memory_space<vmem>>) dst(%dma_wait3A_14 : memref<32x512xf32, #tpu.memory_space<hbm>>)
    %add3A_15 = arith.constant 32 : i32
    %add3A_16 = arith.addi %mul3A_2, %add3A_15 : i32
    %dma_wait3A_17 = arith.constant 9 : i32
    %dma_wait3A_18 = arith.constant 0 : i32
    %dma_wait3A_19 = tpu.memref_slice %arg4[%dma_wait3A_17, %add3A_16, %dma_wait3A_18] : memref<10x4096x512xf32, #tpu.memory_space<hbm>> -> memref<1x32x512xf32, #tpu.memory_space<hbm>>
    %dma_wait3A_20 = tpu.memref_squeeze %dma_wait3A_19 : memref<1x32x512xf32, #tpu.memory_space<hbm>> -> memref<32x512xf32, #tpu.memory_space<hbm>>
    %dma_wait3A_21 = arith.constant 0 : i32
    %dma_wait3A_22 = tpu.memref_slice %arg4[%dma_wait3A_17, %add3A_16, %dma_wait3A_21] : memref<10x4096x512xf32, #tpu.memory_space<hbm>> -> memref<1x32x512xf32, #tpu.memory_space<hbm>>
    %dma_wait3A_23 = tpu.memref_squeeze %dma_wait3A_22 : memref<1x32x512xf32, #tpu.memory_space<hbm>> -> memref<32x512xf32, #tpu.memory_space<hbm>>
    tpu.wait_dma2 semaphore(%arg15 : memref<!tpu.dma_semaphore, #tpu.memory_space<semaphore_mem>>) src(%arg7 : memref<32x512xf32, #tpu.memory_space<vmem>>) dst(%dma_wait3A_23 : memref<32x512xf32, #tpu.memory_space<hbm>>)
    %add3A_24 = arith.constant 64 : i32
    %add3A_25 = arith.addi %mul3A_2, %add3A_24 : i32
    %dma_wait3A_26 = arith.constant 9 : i32
    %dma_wait3A_27 = arith.constant 0 : i32
    %dma_wait3A_28 = tpu.memref_slice %arg4[%dma_wait3A_26, %add3A_25, %dma_wait3A_27] : memref<10x4096x512xf32, #tpu.memory_space<hbm>> -> memref<1x32x512xf32, #tpu.memory_space<hbm>>
    %dma_wait3A_29 = tpu.memref_squeeze %dma_wait3A_28 : memref<1x32x512xf32, #tpu.memory_space<hbm>> -> memref<32x512xf32, #tpu.memory_space<hbm>>
    %dma_wait3A_30 = arith.constant 0 : i32
    %dma_wait3A_31 = tpu.memref_slice %arg4[%dma_wait3A_26, %add3A_25, %dma_wait3A_30] : memref<10x4096x512xf32, #tpu.memory_space<hbm>> -> memref<1x32x512xf32, #tpu.memory_space<hbm>>
    %dma_wait3A_32 = tpu.memref_squeeze %dma_wait3A_31 : memref<1x32x512xf32, #tpu.memory_space<hbm>> -> memref<32x512xf32, #tpu.memory_space<hbm>>
    tpu.wait_dma2 semaphore(%arg16 : memref<!tpu.dma_semaphore, #tpu.memory_space<semaphore_mem>>) src(%arg8 : memref<32x512xf32, #tpu.memory_space<vmem>>) dst(%dma_wait3A_32 : memref<32x512xf32, #tpu.memory_space<hbm>>)
    %add3A_33 = arith.constant 96 : i32
    %add3A_34 = arith.addi %mul3A_2, %add3A_33 : i32
    %dma_wait3A_35 = arith.constant 9 : i32
    %dma_wait3A_36 = arith.constant 0 : i32
    %dma_wait3A_37 = tpu.memref_slice %arg4[%dma_wait3A_35, %add3A_34, %dma_wait3A_36] : memref<10x4096x512xf32, #tpu.memory_space<hbm>> -> memref<1x32x512xf32, #tpu.memory_space<hbm>>
    %dma_wait3A_38 = tpu.memref_squeeze %dma_wait3A_37 : memref<1x32x512xf32, #tpu.memory_space<hbm>> -> memref<32x512xf32, #tpu.memory_space<hbm>>
    %dma_wait3A_39 = arith.constant 0 : i32
    %dma_wait3A_40 = tpu.memref_slice %arg4[%dma_wait3A_35, %add3A_34, %dma_wait3A_39] : memref<10x4096x512xf32, #tpu.memory_space<hbm>> -> memref<1x32x512xf32, #tpu.memory_space<hbm>>
    %dma_wait3A_41 = tpu.memref_squeeze %dma_wait3A_40 : memref<1x32x512xf32, #tpu.memory_space<hbm>> -> memref<32x512xf32, #tpu.memory_space<hbm>>
    tpu.wait_dma2 semaphore(%arg17 : memref<!tpu.dma_semaphore, #tpu.memory_space<semaphore_mem>>) src(%arg9 : memref<32x512xf32, #tpu.memory_space<vmem>>) dst(%dma_wait3A_41 : memref<32x512xf32, #tpu.memory_space<hbm>>)
    return
  }
}

module attributes {stable_mosaic.version = 14 : i64} {
  func.func @_tc_body(%arg0: i32, %arg1: memref<1024x512xf32, #tpu.memory_space<vmem>>, %arg2: memref<512x256xf32, #tpu.memory_space<vmem>>, %arg3: memref<1024x1xf32, #tpu.memory_space<vmem>>, %arg4: memref<1000x256xf32, #tpu.memory_space<vmem>>, %arg5: memref<16x256xi32, #tpu.memory_space<vmem>>) attributes {dimension_semantics = [#tpu.dimension_semantics<arbitrary>], iteration_bounds = array<i64: 16>, scalar_prefetch = 0 : i64, scratch_operands = 0 : i64, tpu.core_type = #tpu.core_type<tc>, window_params = [{pipeline_mode = #tpu.pipeline_mode<synchronous>, transform_indices = @transform_0, window_bounds = array<i64: 1024, 512>}, {transform_indices = @transform_1, window_bounds = array<i64: 512, 256>}, {pipeline_mode = #tpu.pipeline_mode<synchronous>, transform_indices = @transform_2, window_bounds = array<i64: 1024, 1>}, {transform_indices = @transform_3, window_bounds = array<i64: 1000, 256>}, {transform_indices = @transform_4, window_bounds = array<i64: 16, 256>}]} {
    %get3A = arith.constant 0 : index
    %get3A_0 = arith.constant 0 : index
    %get3A_1 = vector.load %arg1[%get3A, %get3A_0] : memref<1024x512xf32, #tpu.memory_space<vmem>>, vector<1024x512xf32>
    %get3A_2 = arith.constant 0 : index
    %get3A_3 = arith.constant 0 : index
    %get3A_4 = vector.load %arg2[%get3A_2, %get3A_3] : memref<512x256xf32, #tpu.memory_space<vmem>>, vector<512x256xf32>
    %dot_general3A = arith.constant dense<0.000000e+00> : vector<1024x256xf32>
    %dot_general3A_5 = tpu.matmul %get3A_1, %get3A_4, %dot_general3A {dimension_numbers = #tpu.dot_dimension_numbers<[1], [0], [0], [1], [0, 0, 1, 1], [], []>, transpose_lhs_hint = false} : vector<1024x512xf32>, vector<512x256xf32>, vector<1024x256xf32> -> vector<1024x256xf32>
    %get3A_6 = arith.constant 0 : index
    %get3A_7 = arith.constant 0 : index
    %get3A_8 = vector.load %arg3[%get3A_6, %get3A_7] : memref<1024x1xf32, #tpu.memory_space<vmem>>, vector<1024x1xf32>
    %add3A = vector.broadcast %get3A_8 : vector<1024x1xf32> to vector<1024x256xf32>
    %add3A_9 = arith.addf %dot_general3A_5, %add3A : vector<1024x256xf32>
    %reduce_max3A = arith.constant dense<0xFF800000> : vector<256xf32>
    %reduce_max3A_10 = vector.multi_reduction <maximumf>, %add3A_9, %reduce_max3A [0] : vector<1024x256xf32> to vector<256xf32>
    %broadcast_in_dim3A = vector.shape_cast %reduce_max3A_10 : vector<256xf32> to vector<1x256xf32>
    %sub3A = vector.broadcast %broadcast_in_dim3A : vector<1x256xf32> to vector<1024x256xf32>
    %sub3A_11 = arith.subf %add3A_9, %sub3A : vector<1024x256xf32>
    %exp3A = math.exp %sub3A_11 : vector<1024x256xf32>
    %reduce_sum3A = arith.constant dense<0.000000e+00> : vector<256xf32>
    %reduce_sum3A_12 = vector.multi_reduction <add>, %exp3A, %reduce_sum3A [0] : vector<1024x256xf32> to vector<256xf32>
    %broadcast_in_dim3A_13 = vector.shape_cast %reduce_sum3A_12 : vector<256xf32> to vector<1x256xf32>
    %div3A = vector.broadcast %broadcast_in_dim3A_13 : vector<1x256xf32> to vector<1024x256xf32>
    %div3A_14 = arith.divf %exp3A, %div3A : vector<1024x256xf32>
    %slice3A = vector.extract_strided_slice %div3A_14 {offsets = [0, 0], sizes = [1000, 256], strides = [1, 1]} : vector<1024x256xf32> to vector<1000x256xf32>
    %swap3A = arith.constant 0 : index
    %swap3A_15 = arith.constant 0 : index
    %swap3A_16 = vector.load %arg4[%swap3A, %swap3A_15] : memref<1000x256xf32, #tpu.memory_space<vmem>>, vector<1000x256xf32>
    tpu.vector_store %arg4[%swap3A, %swap3A_15], %slice3A {strides = array<i32>} : memref<1000x256xf32, #tpu.memory_space<vmem>>, vector<1000x256xf32>,
    %iota3A = tpu.iota {dimensions = array<i32: 0>} : vector<1024x256xi32>
    %reduce_max3A_17 = arith.constant dense<0xFF800000> : vector<256xf32>
    %reduce_max3A_18 = vector.multi_reduction <maximumf>, %add3A_9, %reduce_max3A_17 [0] : vector<1024x256xf32> to vector<256xf32>
    %broadcast_in_dim3A_19 = vector.shape_cast %reduce_max3A_18 : vector<256xf32> to vector<1x256xf32>
    %eq3A = vector.broadcast %broadcast_in_dim3A_19 : vector<1x256xf32> to vector<1024x256xf32>
    %eq3A_20 = arith.cmpf oeq, %add3A_9, %eq3A : vector<1024x256xf32>
    %jit3A = arith.constant 1024 : i32
    %broadcast_in_dim3A_21 = vector.broadcast %jit3A : i32 to vector<1024x256xi32>
    %select_n3A = arith.select %eq3A_20, %iota3A, %broadcast_in_dim3A_21 : vector<1024x256xi1>, vector<1024x256xi32>
    %reduce_min3A = arith.constant dense<2147483647> : vector<256xi32>
    %reduce_min3A_22 = vector.multi_reduction <minsi>, %select_n3A, %reduce_min3A [0] : vector<1024x256xi32> to vector<256xi32>
    %broadcast_in_dim3A_23 = vector.shape_cast %reduce_min3A_22 : vector<256xi32> to vector<1x256xi32>
    %eq3A_24 = vector.broadcast %broadcast_in_dim3A_23 : vector<1x256xi32> to vector<1024x256xi32>
    %eq3A_25 = arith.cmpi eq, %iota3A, %eq3A_24 : vector<1024x256xi32>
    %jit3A_26 = arith.constant -3.000000e+38 : f32
    %broadcast_in_dim3A_27 = vector.broadcast %jit3A_26 : f32 to vector<1024x256xf32>
    %select_n3A_28 = arith.select %eq3A_25, %broadcast_in_dim3A_27, %add3A_9 : vector<1024x256xi1>, vector<1024x256xf32>
    %reduce_max3A_29 = arith.constant dense<0xFF800000> : vector<256xf32>
    %reduce_max3A_30 = vector.multi_reduction <maximumf>, %select_n3A_28, %reduce_max3A_29 [0] : vector<1024x256xf32> to vector<256xf32>
    %broadcast_in_dim3A_31 = vector.shape_cast %reduce_max3A_30 : vector<256xf32> to vector<1x256xf32>
    %eq3A_32 = vector.broadcast %broadcast_in_dim3A_31 : vector<1x256xf32> to vector<1024x256xf32>
    %eq3A_33 = arith.cmpf oeq, %select_n3A_28, %eq3A_32 : vector<1024x256xf32>
    %jit3A_34 = arith.constant 1024 : i32
    %broadcast_in_dim3A_35 = vector.broadcast %jit3A_34 : i32 to vector<1024x256xi32>
    %select_n3A_36 = arith.select %eq3A_33, %iota3A, %broadcast_in_dim3A_35 : vector<1024x256xi1>, vector<1024x256xi32>
    %reduce_min3A_37 = arith.constant dense<2147483647> : vector<256xi32>
    %reduce_min3A_38 = vector.multi_reduction <minsi>, %select_n3A_36, %reduce_min3A_37 [0] : vector<1024x256xi32> to vector<256xi32>
    %broadcast_in_dim3A_39 = vector.shape_cast %reduce_min3A_38 : vector<256xi32> to vector<1x256xi32>
    %eq3A_40 = vector.broadcast %broadcast_in_dim3A_39 : vector<1x256xi32> to vector<1024x256xi32>
    %eq3A_41 = arith.cmpi eq, %iota3A, %eq3A_40 : vector<1024x256xi32>
    %jit3A_42 = arith.constant -3.000000e+38 : f32
    %broadcast_in_dim3A_43 = vector.broadcast %jit3A_42 : f32 to vector<1024x256xf32>
    %select_n3A_44 = arith.select %eq3A_41, %broadcast_in_dim3A_43, %select_n3A_28 : vector<1024x256xi1>, vector<1024x256xf32>
    %reduce_max3A_45 = arith.constant dense<0xFF800000> : vector<256xf32>
    %reduce_max3A_46 = vector.multi_reduction <maximumf>, %select_n3A_44, %reduce_max3A_45 [0] : vector<1024x256xf32> to vector<256xf32>
    %broadcast_in_dim3A_47 = vector.shape_cast %reduce_max3A_46 : vector<256xf32> to vector<1x256xf32>
    %eq3A_48 = vector.broadcast %broadcast_in_dim3A_47 : vector<1x256xf32> to vector<1024x256xf32>
    %eq3A_49 = arith.cmpf oeq, %select_n3A_44, %eq3A_48 : vector<1024x256xf32>
    %jit3A_50 = arith.constant 1024 : i32
    %broadcast_in_dim3A_51 = vector.broadcast %jit3A_50 : i32 to vector<1024x256xi32>
    %select_n3A_52 = arith.select %eq3A_49, %iota3A, %broadcast_in_dim3A_51 : vector<1024x256xi1>, vector<1024x256xi32>
    %reduce_min3A_53 = arith.constant dense<2147483647> : vector<256xi32>
    %reduce_min3A_54 = vector.multi_reduction <minsi>, %select_n3A_52, %reduce_min3A_53 [0] : vector<1024x256xi32> to vector<256xi32>
    %broadcast_in_dim3A_55 = vector.shape_cast %reduce_min3A_54 : vector<256xi32> to vector<1x256xi32>
    %eq3A_56 = vector.broadcast %broadcast_in_dim3A_55 : vector<1x256xi32> to vector<1024x256xi32>
    %eq3A_57 = arith.cmpi eq, %iota3A, %eq3A_56 : vector<1024x256xi32>
    %jit3A_58 = arith.constant -3.000000e+38 : f32
    %broadcast_in_dim3A_59 = vector.broadcast %jit3A_58 : f32 to vector<1024x256xf32>
    %select_n3A_60 = arith.select %eq3A_57, %broadcast_in_dim3A_59, %select_n3A_44 : vector<1024x256xi1>, vector<1024x256xf32>
    %reduce_max3A_61 = arith.constant dense<0xFF800000> : vector<256xf32>
    %reduce_max3A_62 = vector.multi_reduction <maximumf>, %select_n3A_60, %reduce_max3A_61 [0] : vector<1024x256xf32> to vector<256xf32>
    %broadcast_in_dim3A_63 = vector.shape_cast %reduce_max3A_62 : vector<256xf32> to vector<1x256xf32>
    %eq3A_64 = vector.broadcast %broadcast_in_dim3A_63 : vector<1x256xf32> to vector<1024x256xf32>
    %eq3A_65 = arith.cmpf oeq, %select_n3A_60, %eq3A_64 : vector<1024x256xf32>
    %jit3A_66 = arith.constant 1024 : i32
    %broadcast_in_dim3A_67 = vector.broadcast %jit3A_66 : i32 to vector<1024x256xi32>
    %select_n3A_68 = arith.select %eq3A_65, %iota3A, %broadcast_in_dim3A_67 : vector<1024x256xi1>, vector<1024x256xi32>
    %reduce_min3A_69 = arith.constant dense<2147483647> : vector<256xi32>
    %reduce_min3A_70 = vector.multi_reduction <minsi>, %select_n3A_68, %reduce_min3A_69 [0] : vector<1024x256xi32> to vector<256xi32>
    %broadcast_in_dim3A_71 = vector.shape_cast %reduce_min3A_70 : vector<256xi32> to vector<1x256xi32>
    %eq3A_72 = vector.broadcast %broadcast_in_dim3A_71 : vector<1x256xi32> to vector<1024x256xi32>
    %eq3A_73 = arith.cmpi eq, %iota3A, %eq3A_72 : vector<1024x256xi32>
    %jit3A_74 = arith.constant -3.000000e+38 : f32
    %broadcast_in_dim3A_75 = vector.broadcast %jit3A_74 : f32 to vector<1024x256xf32>
    %select_n3A_76 = arith.select %eq3A_73, %broadcast_in_dim3A_75, %select_n3A_60 : vector<1024x256xi1>, vector<1024x256xf32>
    %reduce_max3A_77 = arith.constant dense<0xFF800000> : vector<256xf32>
    %reduce_max3A_78 = vector.multi_reduction <maximumf>, %select_n3A_76, %reduce_max3A_77 [0] : vector<1024x256xf32> to vector<256xf32>
    %broadcast_in_dim3A_79 = vector.shape_cast %reduce_max3A_78 : vector<256xf32> to vector<1x256xf32>
    %eq3A_80 = vector.broadcast %broadcast_in_dim3A_79 : vector<1x256xf32> to vector<1024x256xf32>
    %eq3A_81 = arith.cmpf oeq, %select_n3A_76, %eq3A_80 : vector<1024x256xf32>
    %jit3A_82 = arith.constant 1024 : i32
    %broadcast_in_dim3A_83 = vector.broadcast %jit3A_82 : i32 to vector<1024x256xi32>
    %select_n3A_84 = arith.select %eq3A_81, %iota3A, %broadcast_in_dim3A_83 : vector<1024x256xi1>, vector<1024x256xi32>
    %reduce_min3A_85 = arith.constant dense<2147483647> : vector<256xi32>
    %reduce_min3A_86 = vector.multi_reduction <minsi>, %select_n3A_84, %reduce_min3A_85 [0] : vector<1024x256xi32> to vector<256xi32>
    %broadcast_in_dim3A_87 = vector.shape_cast %reduce_min3A_86 : vector<256xi32> to vector<1x256xi32>
    %eq3A_88 = vector.broadcast %broadcast_in_dim3A_87 : vector<1x256xi32> to vector<1024x256xi32>
    %eq3A_89 = arith.cmpi eq, %iota3A, %eq3A_88 : vector<1024x256xi32>
    %jit3A_90 = arith.constant -3.000000e+38 : f32
    %broadcast_in_dim3A_91 = vector.broadcast %jit3A_90 : f32 to vector<1024x256xf32>
    %select_n3A_92 = arith.select %eq3A_89, %broadcast_in_dim3A_91, %select_n3A_76 : vector<1024x256xi1>, vector<1024x256xf32>
    %reduce_max3A_93 = arith.constant dense<0xFF800000> : vector<256xf32>
    %reduce_max3A_94 = vector.multi_reduction <maximumf>, %select_n3A_92, %reduce_max3A_93 [0] : vector<1024x256xf32> to vector<256xf32>
    %broadcast_in_dim3A_95 = vector.shape_cast %reduce_max3A_94 : vector<256xf32> to vector<1x256xf32>
    %eq3A_96 = vector.broadcast %broadcast_in_dim3A_95 : vector<1x256xf32> to vector<1024x256xf32>
    %eq3A_97 = arith.cmpf oeq, %select_n3A_92, %eq3A_96 : vector<1024x256xf32>
    %jit3A_98 = arith.constant 1024 : i32
    %broadcast_in_dim3A_99 = vector.broadcast %jit3A_98 : i32 to vector<1024x256xi32>
    %select_n3A_100 = arith.select %eq3A_97, %iota3A, %broadcast_in_dim3A_99 : vector<1024x256xi1>, vector<1024x256xi32>
    %reduce_min3A_101 = arith.constant dense<2147483647> : vector<256xi32>
    %reduce_min3A_102 = vector.multi_reduction <minsi>, %select_n3A_100, %reduce_min3A_101 [0] : vector<1024x256xi32> to vector<256xi32>
    %broadcast_in_dim3A_103 = vector.shape_cast %reduce_min3A_102 : vector<256xi32> to vector<1x256xi32>
    %eq3A_104 = vector.broadcast %broadcast_in_dim3A_103 : vector<1x256xi32> to vector<1024x256xi32>
    %eq3A_105 = arith.cmpi eq, %iota3A, %eq3A_104 : vector<1024x256xi32>
    %jit3A_106 = arith.constant -3.000000e+38 : f32
    %broadcast_in_dim3A_107 = vector.broadcast %jit3A_106 : f32 to vector<1024x256xf32>
    %select_n3A_108 = arith.select %eq3A_105, %broadcast_in_dim3A_107, %select_n3A_92 : vector<1024x256xi1>, vector<1024x256xf32>
    %reduce_max3A_109 = arith.constant dense<0xFF800000> : vector<256xf32>
    %reduce_max3A_110 = vector.multi_reduction <maximumf>, %select_n3A_108, %reduce_max3A_109 [0] : vector<1024x256xf32> to vector<256xf32>
    %broadcast_in_dim3A_111 = vector.shape_cast %reduce_max3A_110 : vector<256xf32> to vector<1x256xf32>
    %eq3A_112 = vector.broadcast %broadcast_in_dim3A_111 : vector<1x256xf32> to vector<1024x256xf32>
    %eq3A_113 = arith.cmpf oeq, %select_n3A_108, %eq3A_112 : vector<1024x256xf32>
    %jit3A_114 = arith.constant 1024 : i32
    %broadcast_in_dim3A_115 = vector.broadcast %jit3A_114 : i32 to vector<1024x256xi32>
    %select_n3A_116 = arith.select %eq3A_113, %iota3A, %broadcast_in_dim3A_115 : vector<1024x256xi1>, vector<1024x256xi32>
    %reduce_min3A_117 = arith.constant dense<2147483647> : vector<256xi32>
    %reduce_min3A_118 = vector.multi_reduction <minsi>, %select_n3A_116, %reduce_min3A_117 [0] : vector<1024x256xi32> to vector<256xi32>
    %broadcast_in_dim3A_119 = vector.shape_cast %reduce_min3A_118 : vector<256xi32> to vector<1x256xi32>
    %eq3A_120 = vector.broadcast %broadcast_in_dim3A_119 : vector<1x256xi32> to vector<1024x256xi32>
    %eq3A_121 = arith.cmpi eq, %iota3A, %eq3A_120 : vector<1024x256xi32>
    %jit3A_122 = arith.constant -3.000000e+38 : f32
    %broadcast_in_dim3A_123 = vector.broadcast %jit3A_122 : f32 to vector<1024x256xf32>
    %select_n3A_124 = arith.select %eq3A_121, %broadcast_in_dim3A_123, %select_n3A_108 : vector<1024x256xi1>, vector<1024x256xf32>
    %reduce_max3A_125 = arith.constant dense<0xFF800000> : vector<256xf32>
    %reduce_max3A_126 = vector.multi_reduction <maximumf>, %select_n3A_124, %reduce_max3A_125 [0] : vector<1024x256xf32> to vector<256xf32>
    %broadcast_in_dim3A_127 = vector.shape_cast %reduce_max3A_126 : vector<256xf32> to vector<1x256xf32>
    %eq3A_128 = vector.broadcast %broadcast_in_dim3A_127 : vector<1x256xf32> to vector<1024x256xf32>
    %eq3A_129 = arith.cmpf oeq, %select_n3A_124, %eq3A_128 : vector<1024x256xf32>
    %jit3A_130 = arith.constant 1024 : i32
    %broadcast_in_dim3A_131 = vector.broadcast %jit3A_130 : i32 to vector<1024x256xi32>
    %select_n3A_132 = arith.select %eq3A_129, %iota3A, %broadcast_in_dim3A_131 : vector<1024x256xi1>, vector<1024x256xi32>
    %reduce_min3A_133 = arith.constant dense<2147483647> : vector<256xi32>
    %reduce_min3A_134 = vector.multi_reduction <minsi>, %select_n3A_132, %reduce_min3A_133 [0] : vector<1024x256xi32> to vector<256xi32>
    %broadcast_in_dim3A_135 = vector.shape_cast %reduce_min3A_134 : vector<256xi32> to vector<1x256xi32>
    %eq3A_136 = vector.broadcast %broadcast_in_dim3A_135 : vector<1x256xi32> to vector<1024x256xi32>
    %eq3A_137 = arith.cmpi eq, %iota3A, %eq3A_136 : vector<1024x256xi32>
    %jit3A_138 = arith.constant -3.000000e+38 : f32
    %broadcast_in_dim3A_139 = vector.broadcast %jit3A_138 : f32 to vector<1024x256xf32>
    %select_n3A_140 = arith.select %eq3A_137, %broadcast_in_dim3A_139, %select_n3A_124 : vector<1024x256xi1>, vector<1024x256xf32>
    %reduce_max3A_141 = arith.constant dense<0xFF800000> : vector<256xf32>
    %reduce_max3A_142 = vector.multi_reduction <maximumf>, %select_n3A_140, %reduce_max3A_141 [0] : vector<1024x256xf32> to vector<256xf32>
    %broadcast_in_dim3A_143 = vector.shape_cast %reduce_max3A_142 : vector<256xf32> to vector<1x256xf32>
    %eq3A_144 = vector.broadcast %broadcast_in_dim3A_143 : vector<1x256xf32> to vector<1024x256xf32>
    %eq3A_145 = arith.cmpf oeq, %select_n3A_140, %eq3A_144 : vector<1024x256xf32>
    %jit3A_146 = arith.constant 1024 : i32
    %broadcast_in_dim3A_147 = vector.broadcast %jit3A_146 : i32 to vector<1024x256xi32>
    %select_n3A_148 = arith.select %eq3A_145, %iota3A, %broadcast_in_dim3A_147 : vector<1024x256xi1>, vector<1024x256xi32>
    %reduce_min3A_149 = arith.constant dense<2147483647> : vector<256xi32>
    %reduce_min3A_150 = vector.multi_reduction <minsi>, %select_n3A_148, %reduce_min3A_149 [0] : vector<1024x256xi32> to vector<256xi32>
    %broadcast_in_dim3A_151 = vector.shape_cast %reduce_min3A_150 : vector<256xi32> to vector<1x256xi32>
    %eq3A_152 = vector.broadcast %broadcast_in_dim3A_151 : vector<1x256xi32> to vector<1024x256xi32>
    %eq3A_153 = arith.cmpi eq, %iota3A, %eq3A_152 : vector<1024x256xi32>
    %jit3A_154 = arith.constant -3.000000e+38 : f32
    %broadcast_in_dim3A_155 = vector.broadcast %jit3A_154 : f32 to vector<1024x256xf32>
    %select_n3A_156 = arith.select %eq3A_153, %broadcast_in_dim3A_155, %select_n3A_140 : vector<1024x256xi1>, vector<1024x256xf32>
    %reduce_max3A_157 = arith.constant dense<0xFF800000> : vector<256xf32>
    %reduce_max3A_158 = vector.multi_reduction <maximumf>, %select_n3A_156, %reduce_max3A_157 [0] : vector<1024x256xf32> to vector<256xf32>
    %broadcast_in_dim3A_159 = vector.shape_cast %reduce_max3A_158 : vector<256xf32> to vector<1x256xf32>
    %eq3A_160 = vector.broadcast %broadcast_in_dim3A_159 : vector<1x256xf32> to vector<1024x256xf32>
    %eq3A_161 = arith.cmpf oeq, %select_n3A_156, %eq3A_160 : vector<1024x256xf32>
    %jit3A_162 = arith.constant 1024 : i32
    %broadcast_in_dim3A_163 = vector.broadcast %jit3A_162 : i32 to vector<1024x256xi32>
    %select_n3A_164 = arith.select %eq3A_161, %iota3A, %broadcast_in_dim3A_163 : vector<1024x256xi1>, vector<1024x256xi32>
    %reduce_min3A_165 = arith.constant dense<2147483647> : vector<256xi32>
    %reduce_min3A_166 = vector.multi_reduction <minsi>, %select_n3A_164, %reduce_min3A_165 [0] : vector<1024x256xi32> to vector<256xi32>
    %broadcast_in_dim3A_167 = vector.shape_cast %reduce_min3A_166 : vector<256xi32> to vector<1x256xi32>
    %broadcast_in_dim3A_168 = arith.constant 0 : i32
    %broadcast_in_dim3A_169 = vector.broadcast %broadcast_in_dim3A_168 : i32 to vector<6x256xi32>
    %concatenate3A = tpu.concatenate %broadcast_in_dim3A_23, %broadcast_in_dim3A_39, %broadcast_in_dim3A_55, %broadcast_in_dim3A_71, %broadcast_in_dim3A_87, %broadcast_in_dim3A_103, %broadcast_in_dim3A_119, %broadcast_in_dim3A_135, %broadcast_in_dim3A_151, %broadcast_in_dim3A_167, %broadcast_in_dim3A_169 in 0 : vector<1x256xi32>, vector<1x256xi32>, vector<1x256xi32>, vector<1x256xi32>, vector<1x256xi32>, vector<1x256xi32>, vector<1x256xi32>, vector<1x256xi32>, vector<1x256xi32>, vector<1x256xi32>, vector<6x256xi32> -> vector<16x256xi32>
    %swap3A_170 = arith.constant 0 : index
    %swap3A_171 = arith.constant 0 : index
    %swap3A_172 = vector.load %arg5[%swap3A_170, %swap3A_171] : memref<16x256xi32, #tpu.memory_space<vmem>>, vector<16x256xi32>
    tpu.vector_store %arg5[%swap3A_170, %swap3A_171], %concatenate3A {strides = array<i32>} : memref<16x256xi32, #tpu.memory_space<vmem>>, vector<16x256xi32>,
    return
  }
  func.func @transform_0(%arg0: i32) -> (i32, i32) {
    %c0_i32 = arith.constant 0 : i32
    %c0_i32_0 = arith.constant 0 : i32
    %c0_i32_1 = arith.constant 0 : i32
    return %c0_i32, %c0_i32_0 : i32, i32
  }
  func.func @transform_1(%arg0: i32) -> (i32, i32) {
    %c0_i32 = arith.constant 0 : i32
    %c0_i32_0 = arith.constant 0 : i32
    return %c0_i32, %arg0 : i32, i32
  }
  func.func @transform_2(%arg0: i32) -> (i32, i32) {
    %c0_i32 = arith.constant 0 : i32
    %c0_i32_0 = arith.constant 0 : i32
    %c0_i32_1 = arith.constant 0 : i32
    return %c0_i32, %c0_i32_0 : i32, i32
  }
  func.func @transform_3(%arg0: i32) -> (i32, i32) {
    %c0_i32 = arith.constant 0 : i32
    %c0_i32_0 = arith.constant 0 : i32
    return %c0_i32, %arg0 : i32, i32
  }
  func.func @transform_4(%arg0: i32) -> (i32, i32) {
    %c0_i32 = arith.constant 0 : i32
    %c0_i32_0 = arith.constant 0 : i32
    return %c0_i32, %arg0 : i32, i32
  }
}

</mosaic_0001>

<sc_bundles>
// kernel: kernel.4.cloned.1.call-start
scs
__scs_entry_jumppad:
0x0: {  	(pc) =	sbr.rel $0x88, $3  }
0x1: {  	(tag) =	ssettag $0x0;
	lr =	simm.s32 $0x1  }
0x2: {  	[smem:$0x3F9D] =	sst lr;
	_ =	strace $0xD0000000  }
0x3: {  	_ = 	snop  }
0x4: {  	_ = 	snop  }
0x5: {  	_ = 	snop  }
0x6: {  	_ = 	snop  }
0x7: {  	_ = 	snop  }
__scs_overlays_trampoline_lowered:
0x8: {  	[smem:$0x3FAC] =	sst s0  }
0x9: {  	[smem:$0x3FAD] =	sst s1  }
0xa: {  	[smem:$0x3FAE] =	sst s2  }
0xb: {  	[smem:$0x3FAF] =	sst s3  }
0xc: {  	[smem:$0x3FB0] =	sst s4  }
0xd: {  	[smem:$0x3FB1] =	sst s5  }
0xe: {  	[smem:$0x3FB2] =	sst s6  }
0xf: {  	[smem:$0x3FB3] =	sst s7  }
0x10: {  	[smem:$0x3FB4] =	sst s8  }
0x11: {  	[smem:$0x3FB5] =	sst s9;
	s0 =	simm.s32 @!p0 $0x0  }
0x12: {  	s1 =	sld [smem:$0x3F9B];
	s0 =	simm.s32 @p0 $0x1  }
0x13: {  	[smem:$0x3FB6] =	sst s0;
	s0 =	simm.s32 @!p1 $0x0  }
0x14: {  	s2 =	sld [smem:$0x3F9A];
	s0 =	simm.s32 @p1 $0x1  }
0x15: {  	[smem:$0x3FB7] =	sst s0;
	s0 =	simm.s32 @!p2 $0x0  }
0x16: {  	s3 =	sld [smem:$0x3FDB];
	s0 =	simm.s32 @p2 $0x1  }
0x17: {  	s4 =	simm.s32 $0x1BF5;
	[smem:$0x3FB9] =	sst s0  }
0x18: {  	s0 =	sld [smem:$0x3F9C];
	_ =	swait.ge [sflag:s4], $0x0  }
0x19: {  	s7 =	sld [smem:$0x3F9D]  }
0x1a: {  	s8 =	sadd.s32 $0xFFFFE003, lr  }
0x1b: {  	s9 =	sadd.s32 $0xFFFFFEF7, lr;
	s5 =	simm.s32 $0xFFFFFFFF;
	p2 =	slt.u32 s8, $0xFFFFF086  }
0x1c: {  	p1 =	slt.u32 s9, $0xF7A;
	s5 =	simm.s32 @!p2 $0x0  }
0x1d: {  	s5 =	simm.s32 @p1 $0x1;
	p0 =	seq.s32 s7, s2  }
0x1e: {  	s7 =	smul.u32 @!p0 $0xF7A, s2;
	p2 =	seq.s32 @!p0 s5, $0x0  }
0x1f: {  	s9 =	smul.u32 $0xF7A, s1;
	s8 =	simm.s32 @!p0 $0x1BF5;
	p2 =	por !p2, p0  }
0x20: {  	[sflag:s8] =	ssyncset.s32 @!p0 $0xFFFFF086;
	s6 =	sadd.s32 @!p0 s3, s7;
	s7 =	simm.s32 @!p0 $0x108  }
0x21: {  	s3 =	sadd.s32 s3, s9;
	s6 =	sadd.s32 @!p0 $0x88, s6;
	s7 =	simm.s32 @p2 $0x1082  }
0x22: {  	[simem:s7], [sflag:s8] =	dma.local @!p0 [hbm:s6], $0xF7A  }
0x23: {  	s9 =	sor.u32 $0xD0000000, s2;
	s6 =	simm.s32 $0x108;
	_ =	swait.ge @!p0 [sflag:s8], $0x0  }
0x24: {  	s3 =	sadd.s32 $0x88, s3;
	s6 =	simm.s32 @!p1 $0x1082;
	[sflag:s4] =	ssyncset.s32 $0xFFFFF086  }
0x25: {  	[simem:s6], [sflag:s4] =	dma.local [hbm:s3], $0xF7A  }
0x26: {  	[smem:$0x3F9D] =	sst s1;
	(tag) =	ssettag s2;
	_ =	strace s9  }
0x27: {  	s1 =	sld [smem:$0x3FAD]  }
0x28: {  	s2 =	sld [smem:$0x3FAE]  }
0x29: {  	s4 =	sld [smem:$0x3FB0]  }
0x2a: {  	p0 =	seq.s32 s5, $0x0;
	s5 =	sld [smem:$0x3FB1]  }
0x2b: {  	s6 =	sld [smem:$0x3FB2]  }
0x2c: {  	s7 =	sld [smem:$0x3FB3]  }
0x2d: {  	s3 =	simm.s32 $0x108;
	s8 =	sld [smem:$0x3FB4]  }
0x2e: {  	s3 =	simm.s32 @!p0 $0x1082;
	s9 =	sld [smem:$0x3FB5]  }
0x2f: {  	lr =	sadd.s32 s0, s3;
	s0 =	sld [smem:$0x3FAC]  }
0x30: {  	s3 =	sld [smem:$0x3FAF]  }
0x31: {  	[smem:$0x3FB8] =	sst s10  }
0x32: {  	s10 =	sld [smem:$0x3FB6];
	_ =	sdelay $0x3  }
0x33: {  	p0 =	seq.s32 s10, $0x1;
	s10 =	sld [smem:$0x3FB8];
	_ =	sdelay $0x3  }
0x34: {  	[smem:$0x3FB8] =	sst s10  }
0x35: {  	s10 =	sld [smem:$0x3FB7];
	_ =	sdelay $0x3  }
0x36: {  	p1 =	seq.s32 s10, $0x1;
	s10 =	sld [smem:$0x3FB8];
	_ =	sdelay $0x3  }
0x37: {  	[smem:$0x3FB8] =	sst s10  }
0x38: {  	s10 =	sld [smem:$0x3FB9]  }
0x39: {  	_ = 	snop;
	(pc) =	sbr.ind lr, $3  }
0x3a: {  	_ = 	snop  }
0x3b: {  	_ = 	snop  }
0x3c: {  	p2 =	seq.s32 s10, $0x1;
	s10 =	sld [smem:$0x3FB8]  }
0x3d: {  	_ =	shalt  }
0x3e: {  	_ =	shalt  }
0x3f: {  	_ =	shalt  }
0x40: {  	_ =	shalt  }
0x41: {  	_ =	shalt  }
0x42: {  	_ =	shalt  }
0x43: {  	_ =	shalt  }
0x44: {  	_ =	shalt  }
0x45: {  	_ =	shalt  }
0x46: {  	_ =	shalt  }
0x47: {  	_ =	shalt  }
0x48: {  	_ =	shalt  }
0x49: {  	_ =	shalt  }
0x4a: {  	_ =	shalt  }
0x4b: {  	_ =	shalt  }
0x4c: {  	_ =	shalt  }
0x4d: {  	_ =	shalt  }
0x4e: {  	_ =	shalt  }
0x4f: {  	_ =	shalt  }
0x50: {  	_ =	shalt  }
0x51: {  	_ =	shalt  }
0x52: {  	_ =	shalt  }
0x53: {  	_ =	shalt  }
0x54: {  	_ =	shalt  }
0x55: {  	_ =	shalt  }
0x56: {  	_ =	shalt  }
0x57: {  	_ =	shalt  }
0x58: {  	_ =	shalt  }
0x59: {  	_ =	shalt  }
0x5a: {  	_ =	shalt  }
0x5b: {  	_ =	shalt  }
0x5c: {  	_ =	shalt  }
0x5d: {  	_ =	shalt  }
0x5e: {  	_ =	shalt  }
0x5f: {  	_ =	shalt  }
0x60: {  	_ =	shalt  }
0x61: {  	_ =	shalt  }
0x62: {  	_ =	shalt  }
0x63: {  	_ =	shalt  }
0x64: {  	_ =	shalt  }
0x65: {  	_ =	shalt  }
0x66: {  	_ =	shalt  }
0x67: {  	_ =	shalt  }
0x68: {  	_ =	shalt  }
0x69: {  	_ =	shalt  }
0x6a: {  	_ =	shalt  }
0x6b: {  	_ =	shalt  }
0x6c: {  	_ =	shalt  }
0x6d: {  	_ =	shalt  }
0x6e: {  	_ =	shalt  }
0x6f: {  	_ =	shalt  }
0x70: {  	_ =	shalt  }
0x71: {  	_ =	shalt  }
0x72: {  	_ =	shalt  }
0x73: {  	_ =	shalt  }
0x74: {  	_ =	shalt  }
0x75: {  	_ =	shalt  }
0x76: {  	_ =	shalt  }
0x77: {  	_ =	shalt  }
0x78: {  	_ =	shalt  }
0x79: {  	_ =	shalt  }
0x7a: {  	_ =	shalt  }
0x7b: {  	_ =	shalt  }
0x7c: {  	_ =	shalt  }
0x7d: {  	_ =	shalt  }
0x7e: {  	_ =	shalt  }
0x7f: {  	_ =	shalt  }
0x80: {  	_ =	shalt  }
0x81: {  	_ =	shalt  }
0x82: {  	_ =	shalt  }
0x83: {  	_ =	shalt  }
0x84: {  	_ =	shalt  }
0x85: {  	_ =	shalt  }
0x86: {  	_ =	shalt  }
0x87: {  	_ =	shalt  }
.Lfunc_end0:
.L_simem_size_0:
called_computation_lowered:
.L_overlay_start_0:
0x88: {  	s2 =	sld [smem:$0x3FD9]  }
0x89: {  	s3 =	sld [smem:$0x3FFE];
	_ =	sdelay $0x1  }
0x8a: {  	s1 =	srdreg.scid  }
0x8b: {  	s0 =	sand.u32 $0x1, s1  }
0x8c: {  	s14 =	sshll.u32 s0, $0xA;
	s2 =	sadd.s32 s3, s2  }
0x8d: {  	s2 =	sadd.s32 s2, s14  }
0x8e: {  	[smem:$0x3FC4] =	sst s2  }
0x8f: {  	_ = 	snop  }
0x90: {  	s2 =	sld [smem:$0x3FD0];
	_ =	sdelay $0x2  }
0x91: {  	s4 =	simm.s32 $0xA;
	s5 =	simm.s32 $0x10;
	s15 =	sld [smem:$0x3FC6]  }
0x92: {  	[smem:s5], [sflag:s4] =	dma.local [hbm:s2], $0x1  }
0x93: {  	_ =	swait.eq [sflag:s4], $0x1  }
0x94: {  	[sflag:s4] =	ssyncset.done $0x0  }
0x95: {  	[sflag:s4] =	ssyncadd.s32 $0xFFFFFFFF  }
0x96: {  	s16 =	sld [smem:$0x11];
	(tm) =	ssettm $0x1  }
0x97: {  	s17 =	sld [smem:$0x3FFB];
	_ =	sdelay $0x3  }
0x98: {  	_ =	strace s17  }
0x99: {  	s4 =	sld [smem:$0x3FFC];
	_ =	sdelay $0x3  }
0x9a: {  	_ =	strace s4  }
0x9b: {  	s4 =	sld [smem:$0x3FFD];
	_ =	sdelay $0x3  }
0x9c: {  	_ =	strace s4  }
0x9d: {  	_ =	strace $0x8FFFFFFF  }
0x9e: {  	s18 =	sld [smem:$0x3FDB];
	_ =	sdelay $0x1  }
0x9f: {  	s19 =	simm.s32 $_scs_section_size  }
0xa0: {  	s6 =	simm.s32 $_size__tile_overlayer_lowered;
	s7 =	simm.s32 $_tile_overlayer_lowered  }
0xa1: {  	s22 =	simm.s32 $0x1BFF;
	s21 =	sshll.u32 s7, $0x1;
	s4 =	sadd.s32 s19, s18  }
0xa2: {  	s8 =	simm.s32 $0x0;
	s20 =	sshll.u32 s6, $0x1;
	s6 =	sadd.s32 s21, s4  }
0xa3: {  	[timem:s8], [sflag:s22] =	dma.local [hbm:s6], s20  }
0xa4: {  	_ =	swait.ge [sflag:s22], s20  }
0xa5: {  	s5 =	ssub.s32 $0x0, s20;
	[sflag:s22] =	ssyncset.done $0x0  }
0xa6: {  	[sflag:s22] =	ssyncadd.s32 s5;
	_ =	sdelay $0x1  }
0xa7: {  	s23 =	simm.s32 $0x1B8B  }
0xa8: {  	_ =	swait.ge [sflag:s23], $0x1  }
0xa9: {  	[sflag:s23] =	ssyncset.done $0x0  }
0xaa: {  	s25 =	simm.s32 $0x1B8E;
	s24 =	sld [smem:$0x3FFE];
	[sflag:s23] =	ssyncadd.s32 $0xFFFFFFFF  }
0xab: {  	s26 =	simm.s32 $execute0_lowered;
	[smem:$0x3FD2] =	sst s25  }
0xac: {  	s6 =	sshll.u32 s26, $0x1;
	_ =	strace $0x80000046;
	[dreg:$0x1] =	wrdreg $0xFFFFFFFF  }
0xad: {  	s28 =	simm.s32 $_size_execute0_lowered;
	s4 =	sadd.s32 s4, s6;
	[dreg:$0x0] =	wrdreg $0x0  }
0xae: {  	s6 =	sshll.u32 s28, $0x1;
	[dreg:$0x2] =	wrdreg s4  }
0xaf: {  	[dreg:$0x3] =	wrdreg s6  }
0xb0: {  	[dreg:$0x4] =	wrdreg $0xC0  }
0xb1: {  	_ =	task [dreg:s8], $0x5FFFF  }
0xb2: {  	[dreg:$0x1] =	wrdreg $0xFFFFFFFF  }
0xb3: {  	[dreg:$0x0] =	wrdreg $0x60  }
0xb4: {  	[dreg:$0x2] =	wrdreg s15  }
0xb5: {  	[dreg:$0x3] =	wrdreg s24  }
0xb6: {  	[dreg:$0x4] =	wrdreg s16  }
0xb7: {  	[dreg:$0x5] =	wrdreg $0x9  }
0xb8: {  	_ =	task.clear_ibuf [dreg:s8], $0x6FFFF;
	_ =	strace $0x90000046  }
0xb9: {  	s29 =	simm.s32 $0x9;
	_ =	strace $0x80000048  }
0xba: {  	_ =	swait.ge [sflag:s29], $0x1  }
0xbb: {  	[sflag:s29] =	ssyncadd.s32 $0xFFFFFFFF  }
0xbc: {  	_ =	strace $0x90000048  }
0xbd: {  	_ =	sfence  }
0xbe: {  	s30 =	sld [smem:$0x0];
	_ =	sdelay $0x2  }
0xbf: {  	s31 =	sshll.u32 s1, $0xD;
	s1 =	sshrl.u32 s1, $0x2  }
0xc0: {  	s3 =	sand.u32 $0x4000, s31;
	s1 =	sadd.s32 s1, s30  }
0xc1: {  	s0 =	sor.u32 s3, s0;
	s1 =	sshll.u32 s1, $0x11  }
0xc2: {  	s0 =	sor.u32 s1, s0  }
0xc3: {  	s0 =	sadd.s32 $0x8F2B, s0  }
0xc4: {  	[sflag:s0] =	ssyncadd.remote.s32 $0x1  }
0xc5: {  	_ =	sfence.sel $0xFFFF  }
0xc6: {  	[dreg:$0x0] =	wrdreg $0xFFFFFFFF;
	(pc) =	sbr.abs _section_cstart, $3  }
0xc7: {  	[dreg:$0x1] =	wrdreg $0xFFFFFFFF  }
0xc8: {  	_ =	task.clear_ibuf [dreg:s8], $0x2FFFF;
	_ =	strace $0x9FFFFFFF  }
0xc9: {  	(tm) =	ssettm $0x7FFFFFFF  }
tec
execute0_lowered:
.L_overlay_start_1:
0x0: {  	(tag) =	ssettag $0x1  }
0x1: {  	s1 =	rddreg [dreg:$0x0]  }
0x2: {  	s0 =	rddreg [dreg:$0x1]  }
0x3: {  	s2 =	rddreg [dreg:$0x2];
	s4 =	srdreg.scid;
	s3 =	simm.s32 $0x0  }
0x4: {  	s6 =	stileid.u32;
	s25 =	simm.s32 $0x1000;
	[smem:$0x7FF] =	sst s3  }
0x5: {  	s26 =	simm.s32 $0x1800;
	_ =	strace $0x80000047;
	[dreg:$0x5] =	wrdreg s25  }
0x6: {  	s7 =	simm.s32 $0x2800;
	s8 =	simm.s32 $0x3000;
	[dreg:$0x6] =	wrdreg s26  }
0x7: {  	s10 =	simm.s32 $0x3800;
	s12 =	simm.s32 $0x4000;
	[dreg:$0x8] =	wrdreg s7  }
0x8: {  	s13 =	simm.s32 $0x5000;
	s14 =	simm.s32 $0x5800;
	[dreg:$0x9] =	wrdreg s8  }
0x9: {  	s15 =	simm.s32 $0x6000;
	s17 =	simm.s32 $0x6800;
	[dreg:$0xa] =	wrdreg s10  }
0xa: {  	s19 =	simm.s32 $0x7000;
	s20 =	simm.s32 $0x7800;
	[dreg:$0xb] =	wrdreg s12  }
0xb: {  	s21 =	simm.s32 $0x9000;
	s22 =	simm.s32 $0x9800;
	[dreg:$0xc] =	wrdreg s13  }
0xc: {  	s23 =	simm.s32 $0xA000;
	s28 =	simm.s32 $0x6;
	[dreg:$0xd] =	wrdreg s14  }
0xd: {  	s29 =	simm.s32 $0x7;
	s30 =	simm.s32 $0x8;
	[dreg:$0xe] =	wrdreg s15  }
0xe: {  	s31 =	simm.s32 $0x0;
	s4 =	sand.u32 $0x1, s4;
	[dreg:$0xf] =	wrdreg s17  }
0xf: {  	s5 =	sshll.u32 s6, $0xE;
	s9 =	sshll.u32 s6, $0x8;
	[dreg:$0x10] =	wrdreg s19  }
0x10: {  	s2 =	sadd.s32 s5, s2;
	s24 =	sshll.u32 s4, $0xD;
	[dreg:$0x11] =	wrdreg s20  }
0x11: {  	s5 =	simm.s32 $0x2000;
	s11 =	sshll.u32 s4, $0x7;
	[dreg:$0x12] =	wrdreg s21  }
0x12: {  	s4 =	ssub.s32 $0x2, s4;
	[dreg:$0x13] =	wrdreg s22;
	s8 =	simm.s32 $0x8000  }
0x13: {  	[dreg:$0x14] =	wrdreg s23;
	s25 =	simm.s32 $0xB000;
	s10 =	simm.s32 $0x800  }
0x14: {  	s26 =	simm.s32 $0xB800;
	s12 =	simm.s32 $0x8800;
	s13 =	simm.s32 $0xC000  }
0x15: {  	s14 =	simm.s32 $0xC800;
	s15 =	simm.s32 $0xD000;
	s17 =	simm.s32 $0xE000  }
0x16: {  	s19 =	simm.s32 $0xF000;
	s20 =	simm.s32 $0xF800;
	s21 =	simm.s32 $0x10000  }
0x17: {  	s22 =	simm.s32 $0x1;
	s23 =	simm.s32 $0x2;
	s2 =	sadd.s32 s24, s2  }
0x18: {  	[dreg:$0x7] =	wrdreg s5;
	s5 =	sor.u32 s11, s9;
	s16 =	sshrl.u32 s4, $0x1  }
0x19: {  	s24 =	simm.s32 $0xA800;
	s9 =	simm.s32 $0x9;
	[dreg:$0x16] =	wrdreg s25  }
0x1a: {  	s11 =	simm.s32 $0x4800;
	[dreg:$0x17] =	wrdreg s26;
	s25 =	simm.s32 $0x4  }
0x1b: {  	s26 =	simm.s32 $0x5;
	[dreg:$0x4] =	wrdreg s2;
	s0 =	sadd.s32 s5, s0  }
0x1c: {  	v2 =	vlaneseq.u32;
	s18 =	ssub.s32 s4, s16;
	s5 =	sadd.s32 $0x100, s1;
	[dreg:$0x15] =	wrdreg s24  }
0x1d: {  	vm0 =	vmmov $0xffff;
	v1 =	vshrl.u32 v2, $0x3;
	s16 =	simm.s32 $0xD800;
	s24 =	simm.s32 $0x3;
	s0 =	sadd.s32 $0xA00, s0  }
0x1e: {  	v0 =	vand.u32 $0x7, v2;
	v2 =	vor.u32 $0x8, v2;
	v1 =	vmul.u32 $0x8, v1;
	s6 =	smax.u32 s18, $0x1;
	s18 =	simm.s32 $0xE800;
	[dreg:$0x18] =	wrdreg s0  }
.LBB2_1:
0x1f: {  	s0 =	rddreg [dreg:$0x18];
	s2 =	simm.s32 $0x400  }
0x20: {  	[tilespmem:s3], [sflag:$0x9] =	stream.strided.gather [hbm4b:s0+s2], $0x800, s8, s2, $0x38;
	[tilespmem:$0x10800] =	vst v63  }
0x21: {  	_ =	swait.ge [sflag:s9], $0x800  }
0x22: {  	[sflag:s9] =	ssyncset.done $0x0  }
0x23: {  	s0 =	simm.s32 $0x40;
	s2 =	simm.s32 $0x0;
	[sflag:s9] =	ssyncadd.s32 $0xFFFFF800  }
.LBB2_2:
0x24: {  	p0 =	seq.s32 s2, $0x0  }
0x25: {  	s7 =	simm.s32 @!p0 $0x5  }
0x26: {  	_ =	swait.ge @!p0 [sflag:s7], $0x4000  }
0x27: {  	[sflag:s7] =	ssyncset.done @!p0 $0x0  }
0x28: {  	[sflag:s7] =	ssyncadd.s32 @!p0 $0xFFFFC000  }
0x29: {  	v3 =	vld [tilespmem:s0+$0xFFFFFFC0];
	_ =	sdelay $0x4  }
0x2a: {  	v4 =	vshll.u32 v3, $0x2  }
0x2b: {  	v3 =	vand.u32 $0x7, v3;
	v4 =	vand.u32 $0xFFFFFFE0, v4  }
0x2c: {  	v3 =	vor.u32 v3, v4  }
0x2d: {  	v4 =	vperm.xlane v3, v0;
	_ =	sdelay $0x1  }
0x2e: {  	v4 =	vadd.s32 v1, v4;
	_ =	sdelay $0x1  }
0x2f: {  	v3 =	vperm.xlane v3, v2;
	_ =	sdelay $0x1  }
0x30: {  	v3 =	vadd.s32 v1, v3  }
0x31: {  	[tilespmem:s10], [sflag:$0x1] =	stream.indirect_vreg.gather [hbm4b:s1+s3], $0x80, v4, vm0, $0xb8;
	[tilespmem:$0x10800] =	vst v63  }
0x32: {  	s7 =	rddreg [dreg:$0x5]  }
0x33: {  	[tilespmem:s7], [sflag:$0x1] =	stream.indirect_vreg.gather [hbm4b:s5+s3], $0x80, v4, vm0, $0xb8;
	[tilespmem:$0x10800] =	vst v63  }
0x34: {  	s4 =	rddreg [dreg:$0x6]  }
0x35: {  	[tilespmem:s4], [sflag:$0x1] =	stream.indirect_vreg.gather [hbm4b:s1+s3], $0x80, v3, vm0, $0xb8;
	[tilespmem:$0x10800] =	vst v63  }
0x36: {  	s7 =	rddreg [dreg:$0x7]  }
0x37: {  	[tilespmem:s7], [sflag:$0x1] =	stream.indirect_vreg.gather [hbm4b:s5+s3], $0x80, v3, vm0, $0xb8;
	[tilespmem:$0x10800] =	vst v63  }
0x38: {  	v3 =	vld [tilespmem:s0+$0xFFFFFFD0];
	_ =	sdelay $0x4  }
0x39: {  	v57 =	vshll.u32 v3, $0x2  }
0x3a: {  	v3 =	vand.u32 $0x7, v3;
	v4 =	vand.u32 $0xFFFFFFE0, v57  }
0x3b: {  	v3 =	vor.u32 v3, v4  }
0x3c: {  	v4 =	vperm.xlane v3, v0;
	_ =	sdelay $0x1  }
0x3d: {  	v4 =	vadd.s32 v1, v4;
	_ =	sdelay $0x1  }
0x3e: {  	v3 =	vperm.xlane v3, v2;
	_ =	sdelay $0x1  }
0x3f: {  	s4 =	rddreg [dreg:$0x8];
	v3 =	vadd.s32 v1, v3  }
0x40: {  	[tilespmem:s4], [sflag:$0x1] =	stream.indirect_vreg.gather [hbm4b:s1+s3], $0x80, v4, vm0, $0xb8;
	[tilespmem:$0x10800] =	vst v63  }
0x41: {  	s7 =	rddreg [dreg:$0x9]  }
0x42: {  	[tilespmem:s7], [sflag:$0x1] =	stream.indirect_vreg.gather [hbm4b:s5+s3], $0x80, v4, vm0, $0xb8;
	[tilespmem:$0x10800] =	vst v63  }
0x43: {  	s4 =	rddreg [dreg:$0xa]  }
0x44: {  	[tilespmem:s4], [sflag:$0x1] =	stream.indirect_vreg.gather [hbm4b:s1+s3], $0x80, v3, vm0, $0xb8;
	[tilespmem:$0x10800] =	vst v63  }
0x45: {  	s7 =	rddreg [dreg:$0xb];
	s4 =	simm.s32 @!p0 $0x6  }
0x46: {  	[tilespmem:s7], [sflag:$0x1] =	stream.indirect_vreg.gather [hbm4b:s5+s3], $0x80, v3, vm0, $0xb8;
	[tilespmem:$0x10800] =	vst v63  }
0x47: {  	_ =	swait.ge @!p0 [sflag:s4], $0x4000  }
0x48: {  	[sflag:s4] =	ssyncset.done @!p0 $0x0  }
0x49: {  	[sflag:s4] =	ssyncadd.s32 @!p0 $0xFFFFC000  }
0x4a: {  	v3 =	vld [tilespmem:s0+$0xFFFFFFE0];
	_ =	sdelay $0x4  }
0x4b: {  	v58 =	vshll.u32 v3, $0x2  }
0x4c: {  	v3 =	vand.u32 $0x7, v3;
	v4 =	vand.u32 $0xFFFFFFE0, v58  }
0x4d: {  	v3 =	vor.u32 v3, v4  }
0x4e: {  	v4 =	vperm.xlane v3, v0;
	_ =	sdelay $0x1  }
0x4f: {  	v4 =	vadd.s32 v1, v4;
	_ =	sdelay $0x1  }
0x50: {  	v3 =	vperm.xlane v3, v2;
	_ =	sdelay $0x1  }
0x51: {  	v3 =	vadd.s32 v1, v3  }
0x52: {  	[tilespmem:s11], [sflag:$0x2] =	stream.indirect_vreg.gather [hbm4b:s1+s3], $0x80, v4, vm0, $0xb8;
	[tilespmem:$0x10800] =	vst v63  }
0x53: {  	s4 =	rddreg [dreg:$0xc]  }
0x54: {  	[tilespmem:s4], [sflag:$0x2] =	stream.indirect_vreg.gather [hbm4b:s5+s3], $0x80, v4, vm0, $0xb8;
	[tilespmem:$0x10800] =	vst v63  }
0x55: {  	s7 =	rddreg [dreg:$0xd]  }
0x56: {  	[tilespmem:s7], [sflag:$0x2] =	stream.indirect_vreg.gather [hbm4b:s1+s3], $0x80, v3, vm0, $0xb8;
	[tilespmem:$0x10800] =	vst v63  }
0x57: {  	s4 =	rddreg [dreg:$0xe]  }
0x58: {  	[tilespmem:s4], [sflag:$0x2] =	stream.indirect_vreg.gather [hbm4b:s5+s3], $0x80, v3, vm0, $0xb8;
	[tilespmem:$0x10800] =	vst v63  }
0x59: {  	v3 =	vld [tilespmem:s0+$0xFFFFFFF0];
	_ =	sdelay $0x4  }
0x5a: {  	v59 =	vshll.u32 v3, $0x2  }
0x5b: {  	v3 =	vand.u32 $0x7, v3;
	v4 =	vand.u32 $0xFFFFFFE0, v59  }
0x5c: {  	v3 =	vor.u32 v3, v4  }
0x5d: {  	v4 =	vperm.xlane v3, v0;
	_ =	sdelay $0x1  }
0x5e: {  	v4 =	vadd.s32 v1, v4;
	_ =	sdelay $0x1  }
0x5f: {  	v3 =	vperm.xlane v3, v2;
	_ =	sdelay $0x1  }
0x60: {  	s4 =	rddreg [dreg:$0xf];
	v3 =	vadd.s32 v1, v3  }
0x61: {  	[tilespmem:s4], [sflag:$0x2] =	stream.indirect_vreg.gather [hbm4b:s1+s3], $0x80, v4, vm0, $0xb8;
	[tilespmem:$0x10800] =	vst v63  }
0x62: {  	s7 =	rddreg [dreg:$0x10]  }
0x63: {  	[tilespmem:s7], [sflag:$0x2] =	stream.indirect_vreg.gather [hbm4b:s5+s3], $0x80, v4, vm0, $0xb8;
	[tilespmem:$0x10800] =	vst v63  }
0x64: {  	s4 =	rddreg [dreg:$0x11]  }
0x65: {  	[tilespmem:s4], [sflag:$0x2] =	stream.indirect_vreg.gather [hbm4b:s1+s3], $0x80, v3, vm0, $0xb8;
	[tilespmem:$0x10800] =	vst v63  }
0x66: {  	s4 =	simm.s32 @!p0 $0x7  }
0x67: {  	[tilespmem:s8], [sflag:$0x2] =	stream.indirect_vreg.gather [hbm4b:s5+s3], $0x80, v3, vm0, $0xb8;
	[tilespmem:$0x10800] =	vst v63  }
0x68: {  	_ =	swait.ge @!p0 [sflag:s4], $0x4000  }
0x69: {  	[sflag:s4] =	ssyncset.done @!p0 $0x0  }
0x6a: {  	[sflag:s4] =	ssyncadd.s32 @!p0 $0xFFFFC000  }
0x6b: {  	v3 =	vld [tilespmem:s0+$0x0];
	_ =	sdelay $0x4  }
0x6c: {  	v60 =	vshll.u32 v3, $0x2  }
0x6d: {  	v3 =	vand.u32 $0x7, v3;
	v4 =	vand.u32 $0xFFFFFFE0, v60  }
0x6e: {  	v3 =	vor.u32 v3, v4  }
0x6f: {  	v4 =	vperm.xlane v3, v0;
	_ =	sdelay $0x1  }
0x70: {  	v4 =	vadd.s32 v1, v4;
	_ =	sdelay $0x1  }
0x71: {  	v3 =	vperm.xlane v3, v2;
	_ =	sdelay $0x1  }
0x72: {  	v3 =	vadd.s32 v1, v3  }
0x73: {  	[tilespmem:s12], [sflag:$0x3] =	stream.indirect_vreg.gather [hbm4b:s1+s3], $0x80, v4, vm0, $0xb8;
	[tilespmem:$0x10800] =	vst v63  }
0x74: {  	s4 =	rddreg [dreg:$0x12]  }
0x75: {  	[tilespmem:s4], [sflag:$0x3] =	stream.indirect_vreg.gather [hbm4b:s5+s3], $0x80, v4, vm0, $0xb8;
	[tilespmem:$0x10800] =	vst v63  }
0x76: {  	s7 =	rddreg [dreg:$0x13]  }
0x77: {  	[tilespmem:s7], [sflag:$0x3] =	stream.indirect_vreg.gather [hbm4b:s1+s3], $0x80, v3, vm0, $0xb8;
	[tilespmem:$0x10800] =	vst v63  }
0x78: {  	s4 =	rddreg [dreg:$0x14]  }
0x79: {  	[tilespmem:s4], [sflag:$0x3] =	stream.indirect_vreg.gather [hbm4b:s5+s3], $0x80, v3, vm0, $0xb8;
	[tilespmem:$0x10800] =	vst v63  }
0x7a: {  	v3 =	vld [tilespmem:s0+$0x10];
	_ =	sdelay $0x4  }
0x7b: {  	v61 =	vshll.u32 v3, $0x2  }
0x7c: {  	v3 =	vand.u32 $0x7, v3;
	v4 =	vand.u32 $0xFFFFFFE0, v61  }
0x7d: {  	v3 =	vor.u32 v3, v4  }
0x7e: {  	v4 =	vperm.xlane v3, v0;
	_ =	sdelay $0x1  }
0x7f: {  	v4 =	vadd.s32 v1, v4;
	_ =	sdelay $0x1  }
0x80: {  	v3 =	vperm.xlane v3, v2;
	_ =	sdelay $0x1  }
0x81: {  	s4 =	rddreg [dreg:$0x15];
	v3 =	vadd.s32 v1, v3  }
0x82: {  	[tilespmem:s4], [sflag:$0x3] =	stream.indirect_vreg.gather [hbm4b:s1+s3], $0x80, v4, vm0, $0xb8;
	[tilespmem:$0x10800] =	vst v63  }
0x83: {  	s7 =	rddreg [dreg:$0x16]  }
0x84: {  	[tilespmem:s7], [sflag:$0x3] =	stream.indirect_vreg.gather [hbm4b:s5+s3], $0x80, v4, vm0, $0xb8;
	[tilespmem:$0x10800] =	vst v63  }
0x85: {  	s4 =	rddreg [dreg:$0x17]  }
0x86: {  	[tilespmem:s4], [sflag:$0x3] =	stream.indirect_vreg.gather [hbm4b:s1+s3], $0x80, v3, vm0, $0xb8;
	[tilespmem:$0x10800] =	vst v63  }
0x87: {  	s4 =	simm.s32 @!p0 $0x8  }
0x88: {  	[tilespmem:s13], [sflag:$0x3] =	stream.indirect_vreg.gather [hbm4b:s5+s3], $0x80, v3, vm0, $0xb8;
	[tilespmem:$0x10800] =	vst v63  }
0x89: {  	_ =	swait.ge @!p0 [sflag:s4], $0x4000  }
0x8a: {  	[sflag:s4] =	ssyncset.done @!p0 $0x0  }
0x8b: {  	[sflag:s4] =	ssyncadd.s32 @!p0 $0xFFFFC000  }
0x8c: {  	v3 =	vld [tilespmem:s0+$0x20];
	_ =	sdelay $0x4  }
0x8d: {  	v62 =	vshll.u32 v3, $0x2  }
0x8e: {  	v3 =	vand.u32 $0x7, v3;
	v4 =	vand.u32 $0xFFFFFFE0, v62  }
0x8f: {  	v3 =	vor.u32 v3, v4  }
0x90: {  	v4 =	vperm.xlane v3, v0;
	_ =	sdelay $0x1  }
0x91: {  	v4 =	vadd.s32 v1, v4;
	_ =	sdelay $0x1  }
0x92: {  	v3 =	vperm.xlane v3, v2;
	_ =	sdelay $0x1  }
0x93: {  	v3 =	vadd.s32 v1, v3  }
0x94: {  	[tilespmem:s14], [sflag:$0x4] =	stream.indirect_vreg.gather [hbm4b:s1+s3], $0x80, v4, vm0, $0xb8;
	[tilespmem:$0x10800] =	vst v63  }
0x95: {  	_ = 	snop  }
0x96: {  	[tilespmem:s15], [sflag:$0x4] =	stream.indirect_vreg.gather [hbm4b:s5+s3], $0x80, v4, vm0, $0xb8;
	[tilespmem:$0x10800] =	vst v63  }
0x97: {  	_ = 	snop  }
0x98: {  	[tilespmem:s16], [sflag:$0x4] =	stream.indirect_vreg.gather [hbm4b:s1+s3], $0x80, v3, vm0, $0xb8;
	[tilespmem:$0x10800] =	vst v63  }
0x99: {  	_ = 	snop  }
0x9a: {  	[tilespmem:s17], [sflag:$0x4] =	stream.indirect_vreg.gather [hbm4b:s5+s3], $0x80, v3, vm0, $0xb8;
	[tilespmem:$0x10800] =	vst v63  }
0x9b: {  	v3 =	vld [tilespmem:s0+$0x30];
	_ =	sdelay $0x4  }
0x9c: {  	v63 =	vshll.u32 v3, $0x2  }
0x9d: {  	v3 =	vand.u32 $0x7, v3;
	v4 =	vand.u32 $0xFFFFFFE0, v63  }
0x9e: {  	v3 =	vor.u32 v3, v4  }
0x9f: {  	v4 =	vperm.xlane v3, v0;
	_ =	sdelay $0x1  }
0xa0: {  	v4 =	vadd.s32 v1, v4;
	_ =	sdelay $0x1  }
0xa1: {  	v3 =	vperm.xlane v3, v2;
	_ =	sdelay $0x1  }
0xa2: {  	v3 =	vadd.s32 v1, v3  }
0xa3: {  	[tilespmem:s18], [sflag:$0x4] =	stream.indirect_vreg.gather [hbm4b:s1+s3], $0x80, v4, vm0, $0xb8;
	[tilespmem:$0x10800] =	vst v63  }
0xa4: {  	_ = 	snop  }
0xa5: {  	[tilespmem:s19], [sflag:$0x4] =	stream.indirect_vreg.gather [hbm4b:s5+s3], $0x80, v4, vm0, $0xb8;
	[tilespmem:$0x10800] =	vst v63  }
0xa6: {  	_ = 	snop  }
0xa7: {  	[tilespmem:s20], [sflag:$0x4] =	stream.indirect_vreg.gather [hbm4b:s1+s3], $0x80, v3, vm0, $0xb8;
	[tilespmem:$0x10800] =	vst v63  }
0xa8: {  	_ = 	snop  }
0xa9: {  	[tilespmem:s21], [sflag:$0x4] =	stream.indirect_vreg.gather [hbm4b:s5+s3], $0x80, v3, vm0, $0xb8;
	[tilespmem:$0x10800] =	vst v63  }
0xaa: {  	_ =	swait.ge [sflag:s22], $0x4000  }
0xab: {  	s7 =	rddreg [dreg:$0x4];
	[sflag:s22] =	ssyncset.done $0x0  }
0xac: {  	[sflag:s22] =	ssyncadd.s32 $0xFFFFC000;
	s4 =	sadd.s32 s2, s7  }
0xad: {  	[hbm4b:s4+s3] =	stream.linear.scatter [tilespmem:s10], [sflag:$0x5], $0x4000, $0x38;
	[tilespmem:$0x10800] =	vst v63  }
0xae: {  	_ =	swait.ge [sflag:s23], $0x4000  }
0xaf: {  	[sflag:s23] =	ssyncset.done $0x0  }
0xb0: {  	s7 =	sadd.s32 $0x800, s4;
	[sflag:s23] =	ssyncadd.s32 $0xFFFFC000  }
0xb1: {  	[hbm4b:s7+s3] =	stream.linear.scatter [tilespmem:s11], [sflag:$0x6], $0x4000, $0x38;
	[tilespmem:$0x10800] =	vst v63  }
0xb2: {  	_ =	swait.ge [sflag:s24], $0x4000  }
0xb3: {  	s2 =	sadd.s32 $0x40000, s2;
	[sflag:s24] =	ssyncset.done $0x0  }
0xb4: {  	p0 =	sne.s32 s2, $0x280000;
	s7 =	sadd.s32 $0x1000, s4;
	[sflag:s24] =	ssyncadd.s32 $0xFFFFC000  }
0xb5: {  	[hbm4b:s7+s3] =	stream.linear.scatter [tilespmem:s12], [sflag:$0x7], $0x4000, $0x38;
	[tilespmem:$0x10800] =	vst v63  }
.Ltmp0:
0xb6: {  	_ = 	snop;
	(pc) =	sbr.rel @p0 .LBB2_2-.Ltmp0, $4  }
0xb7: {  	_ =	swait.ge [sflag:s25], $0x4000  }
0xb8: {  	[sflag:s25] =	ssyncset.done $0x0  }
0xb9: {  	s0 =	sadd.s32 $0x80, s0;
	s4 =	sadd.s32 $0x1800, s4;
	[sflag:s25] =	ssyncadd.s32 $0xFFFFC000  }
0xba: {  	[hbm4b:s4+s3] =	stream.linear.scatter [tilespmem:s14], [sflag:$0x8], $0x4000, $0x38;
	[tilespmem:$0x10800] =	vst v63  }
0xbb: {  	_ =	swait.ge [sflag:s26], $0x4000  }
0xbc: {  	[sflag:s26] =	ssyncset.done $0x0  }
0xbd: {  	[sflag:s26] =	ssyncadd.s32 $0xFFFFC000  }
0xbe: {  	_ =	swait.ge [sflag:s28], $0x4000  }
0xbf: {  	[sflag:s28] =	ssyncset.done $0x0  }
0xc0: {  	s31 =	sadd.s32 $0x1, s31;
	[sflag:s28] =	ssyncadd.s32 $0xFFFFC000  }
0xc1: {  	p0 =	sne.s32 s31, s6;
	_ =	swait.ge [sflag:s29], $0x4000  }
.Ltmp1:
0xc2: {  	[sflag:s29] =	ssyncset.done $0x0;
	(pc) =	sbr.rel @p0 .LBB2_1-.Ltmp1, $4  }
0xc3: {  	[sflag:s29] =	ssyncadd.s32 $0xFFFFC000  }
0xc4: {  	_ =	swait.ge [sflag:s30], $0x4000  }
0xc5: {  	[sflag:s30] =	ssyncset.done $0x0  }
0xc6: {  	[sflag:s30] =	ssyncadd.s32 $0xFFFFC000  }
0xc7: {  	_ =	sfence.sel $0x180000  }
0xc8: {  	[bflag:$0x0] =	sbarrier.arrive $0xFFFF  }
0xc9: {  	_ =	strace $0x90000047  }
0xca: {  	s0 =	stileid.u32;
	[bflag:$0x2] =	sbarrier.arrive $0xFFFF  }
0xcb: {  	p0 =	sne.s32 s0, $0x0;
	s0 =	rddreg [dreg:$0x3]  }
0xcc: {  	s0 =	sadd.s32 @!p0 $0x100000, s0  }
0xcd: {  	[sflag:s0] =	ssyncadd.tile.s32 @!p0 $0x1;
	_ =	shalt  }
.Lfunc_end2:
_tile_overlayer_lowered:
.L_overlay_start_2:
0xce: {  	(tag) =	ssettag $0x2  }
0xcf: {  	s0 =	rddreg [dreg:$0x0];
	s2 =	stileid.u32  }
0xd0: {  	s1 =	rddreg [dreg:$0x1];
	p0 =	sne.s32 s2, $0x0  }
0xd1: {  	s3 =	rddreg [dreg:$0x2];
	[bflag:$0x3] =	sbarrier.arrive $0xFFFF;
	s2 =	simm.s32 @!p0 $0x1C09  }
0xd2: {  	[timem:s3], [sflag:s2] =	dma.local @!p0 [hbm:s0], s1  }
0xd3: {  	s0 =	simm.s32 @!p0 $0x9  }
0xd4: {  	_ =	swait.ge @!p0 [sflag:s0], s1  }
0xd5: {  	s1 =	ssub.s32 @!p0 $0x0, s1;
	[sflag:s0] =	ssyncset.done @!p0 $0x0  }
0xd6: {  	[sflag:s0] =	ssyncadd.s32 @!p0 s1  }
0xd7: {  	[bflag:$0x3] =	sbarrier.arrive $0xFFFF  }
0xd8: {  	_ =	shalt  }

</sc_bundles>
